<compile_context>
chip_gen: v7x
topology: tpu7x:2x2x1
jax: 0.10.2.dev20260603
libtpu: 0.0.44.dev20260713+nightly
codegen_flags: <defaults>
</compile_context>

<pallas_src>
import functools

import jax
import jax.numpy as jnp
from jax import lax
from jax.experimental import pallas as pl
from jax.experimental.pallas import tpu as pltpu
from jax.experimental.pallas import tpu_sc as plsc

N_BINS = 10
GROUP = 16
UNROLL = 8


def _sc_partials(n_rows, n_cols, n_workers):
  rows_per_worker = n_rows // n_workers
  n_groups = rows_per_worker // GROUP
  gsz = GROUP * n_cols
  acc_len = 3 * N_BINS * GROUP
  mesh = plsc.VectorSubcoreMesh(core_axis_name="c", subcore_axis_name="s")

  @functools.partial(
      pl.kernel,
      mesh=mesh,
      compiler_params=pltpu.CompilerParams(needs_layout_passes=False),
      out_type=jax.ShapeDtypeStruct((n_workers, acc_len), jnp.float32),
      scratch_types=[
          pltpu.VMEM((2 * gsz,), jnp.float32),
          pltpu.VMEM((rows_per_worker,), jnp.int32),
          pltpu.VMEM((14 * GROUP,), jnp.int32),
          pltpu.VMEM((acc_len,), jnp.float32),
          pltpu.SemaphoreType.DMA,
          pltpu.SemaphoreType.DMA,
      ],
  )
  def sc_kernel(logits_hbm, labels_hbm, out_hbm, buf, lbl_v, hist, acc,
                sem0, sem1):
    wid = lax.axis_index("s") * 2 + lax.axis_index("c")
    row0 = wid * rows_per_worker

    lane = lax.iota(jnp.int32, GROUP)
    lane_base = lane * n_cols
    lane_p32 = lane + 32
    zero_i = jnp.zeros((GROUP,), jnp.int32)
    zero_f = jnp.zeros((GROUP,), jnp.float32)
    one_i = jnp.ones((GROUP,), jnp.int32)
    sixteen_i = jnp.full((GROUP,), 16, jnp.int32)
    neg_inf = jnp.full((GROUP,), -jnp.inf, jnp.float32)

    def copy_group(j, sem):
      return pltpu.make_async_copy(
          logits_hbm.at[pl.ds((row0 + j * GROUP) * n_cols, gsz)],
          buf.at[pl.ds((j % 2) * gsz, gsz)],
          sem)

    pltpu.sync_copy(labels_hbm.at[pl.ds(row0, rows_per_worker)], lbl_v)
    for j in range(3 * N_BINS):
      acc[pl.ds(j * GROUP, GROUP)] = zero_f

    copy_group(0, sem0).start()

    def group_body(g, _):
      parity = lax.rem(g, 2)
      base_off = parity * gsz

      @pl.when(parity == 0)
      def _():
        copy_group(g, sem0).wait()

      @pl.when(parity != 0)
      def _():
        copy_group(g, sem1).wait()

      @pl.when(g + 1 < n_groups)
      def _():
        @pl.when(parity == 0)
        def _():
          copy_group(g + 1, sem1).start()

        @pl.when(parity != 0)
        def _():
          copy_group(g + 1, sem0).start()

      for b in range(14):
        hist[pl.ds(b * GROUP, GROUP)] = zero_i

      gather_base = lane_base + base_off

      def col_body(ci, carry):
        ms = list(carry[:4])
        args = list(carry[4:])
        c0 = ci * UNROLL
        for u in range(UNROLL):
          k = u % 4
          c = c0 + u
          cv = jnp.full((GROUP,), c, jnp.int32)
          x = plsc.load_gather(buf, [gather_base + cv])
          upd = x > ms[k]
          args[k] = jnp.where(upd, cv, args[k])
          ms[k] = jnp.maximum(ms[k], x)
          xc = jnp.minimum(jnp.maximum(x, -1.0), 12.0)
          t = xc.astype(jnp.int32)
          tf = t.astype(jnp.float32)
          gt = xc > tf
          a0 = lax.shift_left(t, 4) + lane_p32
          corr = jnp.where(gt, zero_i, sixteen_i)
          addr = a0 - corr
          plsc.addupdate_scatter(hist, [addr], one_i)
        return (*ms, *args)

      fin = lax.fori_loop(0, n_cols // UNROLL, col_body,
                          (neg_inf,) * 4 + (zero_i,) * 4)

      def merge(ma, aa, mb, ab):
        take_b = (mb > ma) | ((mb == ma) & (ab < aa))
        return jnp.maximum(ma, mb), jnp.where(take_b, ab, aa)

      m01, a01 = merge(fin[0], fin[4], fin[1], fin[5])
      m23, a23 = merge(fin[2], fin[6], fin[3], fin[7])
      m, arg = merge(m01, a01, m23, a23)

      lbl = lbl_v[pl.ds(g * GROUP, GROUP)]
      accv = jnp.where(arg == lbl, 1.0, 0.0).astype(jnp.float32)
      for b in range(N_BINS):
        h = hist[pl.ds((b + 2) * GROUP, GROUP)].astype(jnp.float32)
        acc[pl.ds(b * GROUP, GROUP)] += h
        acc[pl.ds((N_BINS + b) * GROUP, GROUP)] += m * h
        acc[pl.ds((2 * N_BINS + b) * GROUP, GROUP)] += accv * h
      return 0

    lax.fori_loop(0, n_groups, group_body, 0)
    pltpu.sync_copy(acc, out_hbm.at[wid])

  return sc_kernel


def _tc_finisher(total):
  def body(p_ref, out_ref):
    sums = jnp.sum(p_ref[...], axis=1, keepdims=True)
    cnt = sums[0:N_BINS, :]
    conf = sums[N_BINS:2 * N_BINS, :]
    accs = sums[2 * N_BINS:3 * N_BINS, :]
    denom = jnp.maximum(cnt, 1.0)
    prop = cnt / total
    contrib = jnp.where(cnt > 0.0,
                        jnp.abs(conf / denom - accs / denom) * prop, 0.0)
    out_ref[0, 0] = jnp.sum(contrib)

  return body


def kernel(logits, labels):
  n_rows, n_cols = logits.shape
  n_workers = 32
  flat = logits.reshape(n_rows * n_cols)
  partials = _sc_partials(n_rows, n_cols, n_workers)(flat, labels)
  pt = partials.reshape(n_workers, 3 * N_BINS, GROUP)
  pt = pt.transpose(1, 0, 2).reshape(3 * N_BINS, n_workers * GROUP)
  total = float(n_rows * n_cols)
  ece = pl.pallas_call(
      _tc_finisher(total),
      out_shape=jax.ShapeDtypeStruct((1, 1), jnp.float32),
      out_specs=pl.BlockSpec(memory_space=pltpu.SMEM),
  )(pt)
  return ece.reshape(1)

# --- scband reference (transcript-rebuilt; emitter-appended) ---
"""Pipeline reference for scband-eceloss-logit-bins-34325378630271 (READ-ONLY COPY).

The authoritative reference and input builder live on the scoring server;
editing this copy changes nothing except your own understanding.
"""

import jax, jax.numpy as jnp
import numpy as np

N_BINS = 10
BIN_RANGES = [(i, i + 1) for i in range(N_BINS)]


def setup_inputs(seed: int = 0) -> dict:
    key = jax.random.key(seed)
    k1, k2 = jax.random.split(key)
    logits = jax.random.normal(k1, (16384, 1000), dtype=jnp.float32)
    labels = jax.random.randint(k2, (16384,), 0, 1000, dtype=jnp.int32)
    return {"logits": logits, "labels": labels}


def reference(logits, labels):
    # confidences, predictions = torch.max(logits, 1)
    confidences = jnp.max(logits, axis=1)
    predictions = jnp.argmax(logits, axis=1)
    accuracies = (predictions == labels).astype(jnp.float32)

    # Broadcast per-sample accuracy/confidence over the class dimension so the
    # element-wise logit-bin mask [N, C] can select them (faithful to the
    # intended boolean-mask indexing accuracies[in_bin] / confidences[in_bin]).
    acc_b = accuracies[:, None]
    conf_b = confidences[:, None]

    total = float(logits.shape[0] * logits.shape[1])
    ece = jnp.zeros((1,), dtype=logits.dtype)
    for bin_lower, bin_upper in BIN_RANGES:
        in_bin = ((logits > bin_lower) & (logits <= bin_upper)).astype(jnp.float32)
        count = jnp.sum(in_bin)
        prop_in_bin = count / total
        denom = jnp.maximum(count, 1.0)
        accuracy_in_bin = jnp.sum(acc_b * in_bin) / denom
        avg_confidence_in_bin = jnp.sum(conf_b * in_bin) / denom
        contrib = jnp.where(
            count > 0,
            jnp.abs(avg_confidence_in_bin - accuracy_in_bin) * prop_in_bin,
            0.0,
        )
        ece = ece + contrib
    return ece

if __name__ == "__main__":
    import jax
    _d = setup_inputs()
    print(jax.jit(kernel)(*tuple(_d.values())))

</pallas_src>

<mosaic_0001>
#map = affine_map<(d0, d1) -> (0)>
#map1 = affine_map<(d0, d1) -> (0, 0)>
module attributes {stable_mosaic.version = 14 : i64} {
  func.func @sc_kernel(%arg0: i32, %arg1: i32, %arg2: memref<16384000xf32, #tpu.memory_space<hbm>>, %arg3: memref<16384xi32, #tpu.memory_space<hbm>>, %arg4: memref<32x480xf32, #tpu.memory_space<hbm>>, %arg5: memref<32000xf32, #tpu.memory_space<vmem>>, %arg6: memref<512xi32, #tpu.memory_space<vmem>>, %arg7: memref<224xi32, #tpu.memory_space<vmem>>, %arg8: memref<480xf32, #tpu.memory_space<vmem>>, %arg9: memref<!tpu.dma_semaphore, #tpu.memory_space<semaphore_mem>>, %arg10: memref<!tpu.dma_semaphore, #tpu.memory_space<semaphore_mem>>) attributes {dimension_semantics = [#tpu.dimension_semantics<core_parallel>, #tpu.dimension_semantics<subcore_parallel>], iteration_bounds = array<i64: 2, 16>, scalar_prefetch = 0 : i64, scratch_operands = 6 : i64, tpu.core_type = #tpu.core_type<sc_vector_subcore>, window_params = [{transform_indices = #map}, {transform_indices = #map}, {transform_indices = #map1}]} {
    %mul3A = arith.constant 2 : i32
    %mul3A_0 = arith.muli %arg1, %mul3A : i32
    %add3A = arith.addi %mul3A_0, %arg0 : i32
    %mul3A_1 = arith.constant 512 : i32
    %mul3A_2 = arith.muli %add3A, %mul3A_1 : i32
    %iota3A = tpu.iota {dimensions = array<i32: 0>} : vector<16xi32>
    %mul3A_3 = arith.constant 1000 : i32
    %mul3A_4 = vector.broadcast %mul3A_3 : i32 to vector<16xi32>
    %mul3A_5 = arith.muli %iota3A, %mul3A_4 : vector<16xi32>
    %add3A_6 = arith.constant 32 : i32
    %add3A_7 = vector.broadcast %add3A_6 : i32 to vector<16xi32>
    %add3A_8 = arith.addi %iota3A, %add3A_7 : vector<16xi32>
    %broadcast_in_dim3A = arith.constant 0 : i32
    %broadcast_in_dim3A_9 = vector.broadcast %broadcast_in_dim3A : i32 to vector<16xi32>
    %broadcast_in_dim3A_10 = arith.constant 0.000000e+00 : f32
    %broadcast_in_dim3A_11 = vector.broadcast %broadcast_in_dim3A_10 : f32 to vector<16xf32>
    %broadcast_in_dim3A_12 = arith.constant 1 : i32
    %broadcast_in_dim3A_13 = vector.broadcast %broadcast_in_dim3A_12 : i32 to vector<16xi32>
    %broadcast_in_dim3A_14 = arith.constant 16 : i32
    %broadcast_in_dim3A_15 = vector.broadcast %broadcast_in_dim3A_14 : i32 to vector<16xi32>
    %broadcast_in_dim3A_16 = arith.constant 0xFF800000 : f32
    %broadcast_in_dim3A_17 = vector.broadcast %broadcast_in_dim3A_16 : f32 to vector<16xf32>
    "tpu.region"() ({
      %run_scoped3A = tpu.sem_alloc : memref<!tpu.dma_semaphore, #tpu.memory_space<semaphore_mem>>
      %dma_start3A_92 = tpu.memref_slice %arg3[%mul3A_2] : memref<16384xi32, #tpu.memory_space<hbm>> -> memref<512xi32, #tpu.memory_space<hbm>>
      %dma_start3A_93 = tpu.memref_slice %arg3[%mul3A_2] : memref<16384xi32, #tpu.memory_space<hbm>> -> memref<512xi32, #tpu.memory_space<hbm>>
      tpu.enqueue_dma source(%dma_start3A_93 : memref<512xi32, #tpu.memory_space<hbm>>) target(%arg6 : memref<512xi32, #tpu.memory_space<vmem>>) target_semaphore(%run_scoped3A : memref<!tpu.dma_semaphore, #tpu.memory_space<semaphore_mem>>)
      %dma_wait3A = tpu.memref_slice %arg3[%mul3A_2] : memref<16384xi32, #tpu.memory_space<hbm>> -> memref<512xi32, #tpu.memory_space<hbm>>
      %dma_wait3A_94 = tpu.memref_slice %arg3[%mul3A_2] : memref<16384xi32, #tpu.memory_space<hbm>> -> memref<512xi32, #tpu.memory_space<hbm>>
      tpu.wait_dma2 semaphore(%run_scoped3A : memref<!tpu.dma_semaphore, #tpu.memory_space<semaphore_mem>>) src(%dma_wait3A_94 : memref<512xi32, #tpu.memory_space<hbm>>) dst(%arg6 : memref<512xi32, #tpu.memory_space<vmem>>)
      tpu.yield
    }) : () -> ()
    %swap3A = arith.constant 0 : index
    %swap3A_18 = tpu.vector_load %arg8[%swap3A] {strides = array<i32>} : memref<480xf32, #tpu.memory_space<vmem>>, vector<16xf32>,
    tpu.vector_store %arg8[%swap3A], %broadcast_in_dim3A_11 {strides = array<i32>} : memref<480xf32, #tpu.memory_space<vmem>>, vector<16xf32>,
    %swap3A_19 = arith.constant 16 : index
    %swap3A_20 = tpu.vector_load %arg8[%swap3A_19] {strides = array<i32>} : memref<480xf32, #tpu.memory_space<vmem>>, vector<16xf32>,
    tpu.vector_store %arg8[%swap3A_19], %broadcast_in_dim3A_11 {strides = array<i32>} : memref<480xf32, #tpu.memory_space<vmem>>, vector<16xf32>,
    %swap3A_21 = arith.constant 32 : index
    %swap3A_22 = tpu.vector_load %arg8[%swap3A_21] {strides = array<i32>} : memref<480xf32, #tpu.memory_space<vmem>>, vector<16xf32>,
    tpu.vector_store %arg8[%swap3A_21], %broadcast_in_dim3A_11 {strides = array<i32>} : memref<480xf32, #tpu.memory_space<vmem>>, vector<16xf32>,
    %swap3A_23 = arith.constant 48 : index
    %swap3A_24 = tpu.vector_load %arg8[%swap3A_23] {strides = array<i32>} : memref<480xf32, #tpu.memory_space<vmem>>, vector<16xf32>,
    tpu.vector_store %arg8[%swap3A_23], %broadcast_in_dim3A_11 {strides = array<i32>} : memref<480xf32, #tpu.memory_space<vmem>>, vector<16xf32>,
    %swap3A_25 = arith.constant 64 : index
    %swap3A_26 = tpu.vector_load %arg8[%swap3A_25] {strides = array<i32>} : memref<480xf32, #tpu.memory_space<vmem>>, vector<16xf32>,
    tpu.vector_store %arg8[%swap3A_25], %broadcast_in_dim3A_11 {strides = array<i32>} : memref<480xf32, #tpu.memory_space<vmem>>, vector<16xf32>,
    %swap3A_27 = arith.constant 80 : index
    %swap3A_28 = tpu.vector_load %arg8[%swap3A_27] {strides = array<i32>} : memref<480xf32, #tpu.memory_space<vmem>>, vector<16xf32>,
    tpu.vector_store %arg8[%swap3A_27], %broadcast_in_dim3A_11 {strides = array<i32>} : memref<480xf32, #tpu.memory_space<vmem>>, vector<16xf32>,
    %swap3A_29 = arith.constant 96 : index
    %swap3A_30 = tpu.vector_load %arg8[%swap3A_29] {strides = array<i32>} : memref<480xf32, #tpu.memory_space<vmem>>, vector<16xf32>,
    tpu.vector_store %arg8[%swap3A_29], %broadcast_in_dim3A_11 {strides = array<i32>} : memref<480xf32, #tpu.memory_space<vmem>>, vector<16xf32>,
    %swap3A_31 = arith.constant 112 : index
    %swap3A_32 = tpu.vector_load %arg8[%swap3A_31] {strides = array<i32>} : memref<480xf32, #tpu.memory_space<vmem>>, vector<16xf32>,
    tpu.vector_store %arg8[%swap3A_31], %broadcast_in_dim3A_11 {strides = array<i32>} : memref<480xf32, #tpu.memory_space<vmem>>, vector<16xf32>,
    %swap3A_33 = arith.constant 128 : index
    %swap3A_34 = tpu.vector_load %arg8[%swap3A_33] {strides = array<i32>} : memref<480xf32, #tpu.memory_space<vmem>>, vector<16xf32>,
    tpu.vector_store %arg8[%swap3A_33], %broadcast_in_dim3A_11 {strides = array<i32>} : memref<480xf32, #tpu.memory_space<vmem>>, vector<16xf32>,
    %swap3A_35 = arith.constant 144 : index
    %swap3A_36 = tpu.vector_load %arg8[%swap3A_35] {strides = array<i32>} : memref<480xf32, #tpu.memory_space<vmem>>, vector<16xf32>,
    tpu.vector_store %arg8[%swap3A_35], %broadcast_in_dim3A_11 {strides = array<i32>} : memref<480xf32, #tpu.memory_space<vmem>>, vector<16xf32>,
    %swap3A_37 = arith.constant 160 : index
    %swap3A_38 = tpu.vector_load %arg8[%swap3A_37] {strides = array<i32>} : memref<480xf32, #tpu.memory_space<vmem>>, vector<16xf32>,
    tpu.vector_store %arg8[%swap3A_37], %broadcast_in_dim3A_11 {strides = array<i32>} : memref<480xf32, #tpu.memory_space<vmem>>, vector<16xf32>,
    %swap3A_39 = arith.constant 176 : index
    %swap3A_40 = tpu.vector_load %arg8[%swap3A_39] {strides = array<i32>} : memref<480xf32, #tpu.memory_space<vmem>>, vector<16xf32>,
    tpu.vector_store %arg8[%swap3A_39], %broadcast_in_dim3A_11 {strides = array<i32>} : memref<480xf32, #tpu.memory_space<vmem>>, vector<16xf32>,
    %swap3A_41 = arith.constant 192 : index
    %swap3A_42 = tpu.vector_load %arg8[%swap3A_41] {strides = array<i32>} : memref<480xf32, #tpu.memory_space<vmem>>, vector<16xf32>,
    tpu.vector_store %arg8[%swap3A_41], %broadcast_in_dim3A_11 {strides = array<i32>} : memref<480xf32, #tpu.memory_space<vmem>>, vector<16xf32>,
    %swap3A_43 = arith.constant 208 : index
    %swap3A_44 = tpu.vector_load %arg8[%swap3A_43] {strides = array<i32>} : memref<480xf32, #tpu.memory_space<vmem>>, vector<16xf32>,
    tpu.vector_store %arg8[%swap3A_43], %broadcast_in_dim3A_11 {strides = array<i32>} : memref<480xf32, #tpu.memory_space<vmem>>, vector<16xf32>,
    %swap3A_45 = arith.constant 224 : index
    %swap3A_46 = tpu.vector_load %arg8[%swap3A_45] {strides = array<i32>} : memref<480xf32, #tpu.memory_space<vmem>>, vector<16xf32>,
    tpu.vector_store %arg8[%swap3A_45], %broadcast_in_dim3A_11 {strides = array<i32>} : memref<480xf32, #tpu.memory_space<vmem>>, vector<16xf32>,
    %swap3A_47 = arith.constant 240 : index
    %swap3A_48 = tpu.vector_load %arg8[%swap3A_47] {strides = array<i32>} : memref<480xf32, #tpu.memory_space<vmem>>, vector<16xf32>,
    tpu.vector_store %arg8[%swap3A_47], %broadcast_in_dim3A_11 {strides = array<i32>} : memref<480xf32, #tpu.memory_space<vmem>>, vector<16xf32>,
    %swap3A_49 = arith.constant 256 : index
    %swap3A_50 = tpu.vector_load %arg8[%swap3A_49] {strides = array<i32>} : memref<480xf32, #tpu.memory_space<vmem>>, vector<16xf32>,
    tpu.vector_store %arg8[%swap3A_49], %broadcast_in_dim3A_11 {strides = array<i32>} : memref<480xf32, #tpu.memory_space<vmem>>, vector<16xf32>,
    %swap3A_51 = arith.constant 272 : index
    %swap3A_52 = tpu.vector_load %arg8[%swap3A_51] {strides = array<i32>} : memref<480xf32, #tpu.memory_space<vmem>>, vector<16xf32>,
    tpu.vector_store %arg8[%swap3A_51], %broadcast_in_dim3A_11 {strides = array<i32>} : memref<480xf32, #tpu.memory_space<vmem>>, vector<16xf32>,
    %swap3A_53 = arith.constant 288 : index
    %swap3A_54 = tpu.vector_load %arg8[%swap3A_53] {strides = array<i32>} : memref<480xf32, #tpu.memory_space<vmem>>, vector<16xf32>,
    tpu.vector_store %arg8[%swap3A_53], %broadcast_in_dim3A_11 {strides = array<i32>} : memref<480xf32, #tpu.memory_space<vmem>>, vector<16xf32>,
    %swap3A_55 = arith.constant 304 : index
    %swap3A_56 = tpu.vector_load %arg8[%swap3A_55] {strides = array<i32>} : memref<480xf32, #tpu.memory_space<vmem>>, vector<16xf32>,
    tpu.vector_store %arg8[%swap3A_55], %broadcast_in_dim3A_11 {strides = array<i32>} : memref<480xf32, #tpu.memory_space<vmem>>, vector<16xf32>,
    %swap3A_57 = arith.constant 320 : index
    %swap3A_58 = tpu.vector_load %arg8[%swap3A_57] {strides = array<i32>} : memref<480xf32, #tpu.memory_space<vmem>>, vector<16xf32>,
    tpu.vector_store %arg8[%swap3A_57], %broadcast_in_dim3A_11 {strides = array<i32>} : memref<480xf32, #tpu.memory_space<vmem>>, vector<16xf32>,
    %swap3A_59 = arith.constant 336 : index
    %swap3A_60 = tpu.vector_load %arg8[%swap3A_59] {strides = array<i32>} : memref<480xf32, #tpu.memory_space<vmem>>, vector<16xf32>,
    tpu.vector_store %arg8[%swap3A_59], %broadcast_in_dim3A_11 {strides = array<i32>} : memref<480xf32, #tpu.memory_space<vmem>>, vector<16xf32>,
    %swap3A_61 = arith.constant 352 : index
    %swap3A_62 = tpu.vector_load %arg8[%swap3A_61] {strides = array<i32>} : memref<480xf32, #tpu.memory_space<vmem>>, vector<16xf32>,
    tpu.vector_store %arg8[%swap3A_61], %broadcast_in_dim3A_11 {strides = array<i32>} : memref<480xf32, #tpu.memory_space<vmem>>, vector<16xf32>,
    %swap3A_63 = arith.constant 368 : index
    %swap3A_64 = tpu.vector_load %arg8[%swap3A_63] {strides = array<i32>} : memref<480xf32, #tpu.memory_space<vmem>>, vector<16xf32>,
    tpu.vector_store %arg8[%swap3A_63], %broadcast_in_dim3A_11 {strides = array<i32>} : memref<480xf32, #tpu.memory_space<vmem>>, vector<16xf32>,
    %swap3A_65 = arith.constant 384 : index
    %swap3A_66 = tpu.vector_load %arg8[%swap3A_65] {strides = array<i32>} : memref<480xf32, #tpu.memory_space<vmem>>, vector<16xf32>,
    tpu.vector_store %arg8[%swap3A_65], %broadcast_in_dim3A_11 {strides = array<i32>} : memref<480xf32, #tpu.memory_space<vmem>>, vector<16xf32>,
    %swap3A_67 = arith.constant 400 : index
    %swap3A_68 = tpu.vector_load %arg8[%swap3A_67] {strides = array<i32>} : memref<480xf32, #tpu.memory_space<vmem>>, vector<16xf32>,
    tpu.vector_store %arg8[%swap3A_67], %broadcast_in_dim3A_11 {strides = array<i32>} : memref<480xf32, #tpu.memory_space<vmem>>, vector<16xf32>,
    %swap3A_69 = arith.constant 416 : index
    %swap3A_70 = tpu.vector_load %arg8[%swap3A_69] {strides = array<i32>} : memref<480xf32, #tpu.memory_space<vmem>>, vector<16xf32>,
    tpu.vector_store %arg8[%swap3A_69], %broadcast_in_dim3A_11 {strides = array<i32>} : memref<480xf32, #tpu.memory_space<vmem>>, vector<16xf32>,
    %swap3A_71 = arith.constant 432 : index
    %swap3A_72 = tpu.vector_load %arg8[%swap3A_71] {strides = array<i32>} : memref<480xf32, #tpu.memory_space<vmem>>, vector<16xf32>,
    tpu.vector_store %arg8[%swap3A_71], %broadcast_in_dim3A_11 {strides = array<i32>} : memref<480xf32, #tpu.memory_space<vmem>>, vector<16xf32>,
    %swap3A_73 = arith.constant 448 : index
    %swap3A_74 = tpu.vector_load %arg8[%swap3A_73] {strides = array<i32>} : memref<480xf32, #tpu.memory_space<vmem>>, vector<16xf32>,
    tpu.vector_store %arg8[%swap3A_73], %broadcast_in_dim3A_11 {strides = array<i32>} : memref<480xf32, #tpu.memory_space<vmem>>, vector<16xf32>,
    %swap3A_75 = arith.constant 464 : index
    %swap3A_76 = tpu.vector_load %arg8[%swap3A_75] {strides = array<i32>} : memref<480xf32, #tpu.memory_space<vmem>>, vector<16xf32>,
    tpu.vector_store %arg8[%swap3A_75], %broadcast_in_dim3A_11 {strides = array<i32>} : memref<480xf32, #tpu.memory_space<vmem>>, vector<16xf32>,
    %add3A_77 = arith.constant 0 : i32
    %add3A_78 = arith.addi %mul3A_2, %add3A_77 : i32
    %mul3A_79 = arith.constant 1000 : i32
    %mul3A_80 = arith.muli %add3A_78, %mul3A_79 : i32
    %dma_start3A = arith.constant 0 : i32
    %dma_start3A_81 = tpu.memref_slice %arg5[%dma_start3A] : memref<32000xf32, #tpu.memory_space<vmem>> -> memref<16000xf32, #tpu.memory_space<vmem>>
    %dma_start3A_82 = tpu.memref_slice %arg2[%mul3A_80] : memref<16384000xf32, #tpu.memory_space<hbm>> -> memref<16000xf32, #tpu.memory_space<hbm>>
    %dma_start3A_83 = arith.constant 0 : i32
    %dma_start3A_84 = tpu.memref_slice %arg5[%dma_start3A_83] : memref<32000xf32, #tpu.memory_space<vmem>> -> memref<16000xf32, #tpu.memory_space<vmem>>
    %dma_start3A_85 = tpu.memref_slice %arg2[%mul3A_80] : memref<16384000xf32, #tpu.memory_space<hbm>> -> memref<16000xf32, #tpu.memory_space<hbm>>
    tpu.enqueue_dma source(%dma_start3A_85 : memref<16000xf32, #tpu.memory_space<hbm>>) target(%dma_start3A_84 : memref<16000xf32, #tpu.memory_space<vmem>>) target_semaphore(%arg9 : memref<!tpu.dma_semaphore, #tpu.memory_space<semaphore_mem>>)
    %scan3A = arith.constant 0 : i32
    %scan3A_86 = arith.constant 0 : i32
    %scan3A_87 = arith.constant 32 : i32
    %scan3A_88 = arith.addi %scan3A_86, %scan3A_87 : i32
    %scan3A_89 = arith.constant 1 : i32
    %scan3A_90 = scf.for %scan3A_92 = %scan3A_86 to %scan3A_88 step %scan3A_89 iter_args(%scan3A_93 = %scan3A) -> (i32)  : i32 {
      %rem3A = arith.constant 2 : i32
      %rem3A_94 = arith.remsi %scan3A_92, %rem3A : i32
      %mul3A_95 = arith.constant 16000 : i32
      %mul3A_96 = arith.muli %rem3A_94, %mul3A_95 : i32
      %eq3A = arith.constant 0 : i32
      %eq3A_97 = arith.cmpi eq, %rem3A_94, %eq3A : i32
      %convert_element_type3A = arith.extui %eq3A_97 : i1 to i32
      %cond3A = arith.constant 0 : i32
      %cond3A_98 = arith.cmpi ne, %convert_element_type3A, %cond3A : i32
      scf.if %cond3A_98 {
        %mul3A_370 = arith.constant 16 : i32
        %mul3A_371 = arith.muli %scan3A_92, %mul3A_370 : i32
        %add3A_372 = arith.addi %mul3A_2, %mul3A_371 : i32
        %mul3A_373 = arith.constant 1000 : i32
        %mul3A_374 = arith.muli %add3A_372, %mul3A_373 : i32
        %jit3A_375 = arith.constant 2 : i32
        %eq3A_376 = arith.constant 0 : i32
        %eq3A_377 = arith.cmpi eq, %jit3A_375, %eq3A_376 : i32
        %jit3A_378 = arith.constant 1 : i32
        %select_n3A_379 = arith.select %eq3A_377, %jit3A_378, %jit3A_375 : i32
        %rem3A_380 = arith.remsi %scan3A_92, %select_n3A_379 : i32
        %ne3A_381 = arith.constant 0 : i32
        %ne3A_382 = arith.cmpi ne, %rem3A_380, %ne3A_381 : i32
        %lt3A_383 = arith.constant 0 : i32
        %lt3A_384 = arith.cmpi slt, %rem3A_380, %lt3A_383 : i32
        %lt3A_385 = arith.constant 0 : i32
        %lt3A_386 = arith.cmpi slt, %select_n3A_379, %lt3A_385 : i32
        %ne3A_387 = arith.xori %lt3A_384, %lt3A_386 : i1
        %and3A_388 = arith.andi %ne3A_387, %ne3A_382 : i1
        %add3A_389 = arith.addi %rem3A_380, %select_n3A_379 : i32
        %select_n3A_390 = arith.select %and3A_388, %add3A_389, %rem3A_380 : i32
        %mul3A_391 = arith.constant 16000 : i32
        %mul3A_392 = arith.muli %select_n3A_390, %mul3A_391 : i32
        %dma_wait3A = tpu.memref_slice %arg5[%mul3A_392] : memref<32000xf32, #tpu.memory_space<vmem>> -> memref<16000xf32, #tpu.memory_space<vmem>>
        %dma_wait3A_393 = tpu.memref_slice %arg2[%mul3A_374] : memref<16384000xf32, #tpu.memory_space<hbm>> -> memref<16000xf32, #tpu.memory_space<hbm>>
        %dma_wait3A_394 = tpu.memref_slice %arg5[%mul3A_392] : memref<32000xf32, #tpu.memory_space<vmem>> -> memref<16000xf32, #tpu.memory_space<vmem>>
        %dma_wait3A_395 = tpu.memref_slice %arg2[%mul3A_374] : memref<16384000xf32, #tpu.memory_space<hbm>> -> memref<16000xf32, #tpu.memory_space<hbm>>
        tpu.wait_dma2 semaphore(%arg9 : memref<!tpu.dma_semaphore, #tpu.memory_space<semaphore_mem>>) src(%dma_wait3A_395 : memref<16000xf32, #tpu.memory_space<hbm>>) dst(%dma_wait3A_394 : memref<16000xf32, #tpu.memory_space<vmem>>)
      } else {
      }
      %ne3A = arith.constant 0 : i32
      %ne3A_99 = arith.cmpi ne, %rem3A_94, %ne3A : i32
      %convert_element_type3A_100 = arith.extui %ne3A_99 : i1 to i32
      %cond3A_101 = arith.constant 0 : i32
      %cond3A_102 = arith.cmpi ne, %convert_element_type3A_100, %cond3A_101 : i32
      scf.if %cond3A_102 {
        %mul3A_370 = arith.constant 16 : i32
        %mul3A_371 = arith.muli %scan3A_92, %mul3A_370 : i32
        %add3A_372 = arith.addi %mul3A_2, %mul3A_371 : i32
        %mul3A_373 = arith.constant 1000 : i32
        %mul3A_374 = arith.muli %add3A_372, %mul3A_373 : i32
        %jit3A_375 = arith.constant 2 : i32
        %eq3A_376 = arith.constant 0 : i32
        %eq3A_377 = arith.cmpi eq, %jit3A_375, %eq3A_376 : i32
        %jit3A_378 = arith.constant 1 : i32
        %select_n3A_379 = arith.select %eq3A_377, %jit3A_378, %jit3A_375 : i32
        %rem3A_380 = arith.remsi %scan3A_92, %select_n3A_379 : i32
        %ne3A_381 = arith.constant 0 : i32
        %ne3A_382 = arith.cmpi ne, %rem3A_380, %ne3A_381 : i32
        %lt3A_383 = arith.constant 0 : i32
        %lt3A_384 = arith.cmpi slt, %rem3A_380, %lt3A_383 : i32
        %lt3A_385 = arith.constant 0 : i32
        %lt3A_386 = arith.cmpi slt, %select_n3A_379, %lt3A_385 : i32
        %ne3A_387 = arith.xori %lt3A_384, %lt3A_386 : i1
        %and3A_388 = arith.andi %ne3A_387, %ne3A_382 : i1
        %add3A_389 = arith.addi %rem3A_380, %select_n3A_379 : i32
        %select_n3A_390 = arith.select %and3A_388, %add3A_389, %rem3A_380 : i32
        %mul3A_391 = arith.constant 16000 : i32
        %mul3A_392 = arith.muli %select_n3A_390, %mul3A_391 : i32
        %dma_wait3A = tpu.memref_slice %arg5[%mul3A_392] : memref<32000xf32, #tpu.memory_space<vmem>> -> memref<16000xf32, #tpu.memory_space<vmem>>
        %dma_wait3A_393 = tpu.memref_slice %arg2[%mul3A_374] : memref<16384000xf32, #tpu.memory_space<hbm>> -> memref<16000xf32, #tpu.memory_space<hbm>>
        %dma_wait3A_394 = tpu.memref_slice %arg5[%mul3A_392] : memref<32000xf32, #tpu.memory_space<vmem>> -> memref<16000xf32, #tpu.memory_space<vmem>>
        %dma_wait3A_395 = tpu.memref_slice %arg2[%mul3A_374] : memref<16384000xf32, #tpu.memory_space<hbm>> -> memref<16000xf32, #tpu.memory_space<hbm>>
        tpu.wait_dma2 semaphore(%arg10 : memref<!tpu.dma_semaphore, #tpu.memory_space<semaphore_mem>>) src(%dma_wait3A_395 : memref<16000xf32, #tpu.memory_space<hbm>>) dst(%dma_wait3A_394 : memref<16000xf32, #tpu.memory_space<vmem>>)
      } else {
      }
      %add3A_103 = arith.constant 1 : i32
      %add3A_104 = arith.addi %scan3A_92, %add3A_103 : i32
      %lt3A = arith.constant 32 : i32
      %lt3A_105 = arith.cmpi slt, %add3A_104, %lt3A : i32
      %convert_element_type3A_106 = arith.extui %lt3A_105 : i1 to i32
      %cond3A_107 = arith.constant 0 : i32
      %cond3A_108 = arith.cmpi ne, %convert_element_type3A_106, %cond3A_107 : i32
      scf.if %cond3A_108 {
        %eq3A_370 = arith.constant 0 : i32
        %eq3A_371 = arith.cmpi eq, %rem3A_94, %eq3A_370 : i32
        %convert_element_type3A_372 = arith.extui %eq3A_371 : i1 to i32
        %cond3A_373 = arith.constant 0 : i32
        %cond3A_374 = arith.cmpi ne, %convert_element_type3A_372, %cond3A_373 : i32
        scf.if %cond3A_374 {
          %add3A_380 = arith.constant 1 : i32
          %add3A_381 = arith.addi %scan3A_92, %add3A_380 : i32
          %mul3A_382 = arith.constant 16 : i32
          %mul3A_383 = arith.muli %add3A_381, %mul3A_382 : i32
          %add3A_384 = arith.addi %mul3A_2, %mul3A_383 : i32
          %mul3A_385 = arith.constant 1000 : i32
          %mul3A_386 = arith.muli %add3A_384, %mul3A_385 : i32
          %jit3A_387 = arith.constant 2 : i32
          %eq3A_388 = arith.constant 0 : i32
          %eq3A_389 = arith.cmpi eq, %jit3A_387, %eq3A_388 : i32
          %jit3A_390 = arith.constant 1 : i32
          %select_n3A_391 = arith.select %eq3A_389, %jit3A_390, %jit3A_387 : i32
          %rem3A_392 = arith.remsi %add3A_381, %select_n3A_391 : i32
          %ne3A_393 = arith.constant 0 : i32
          %ne3A_394 = arith.cmpi ne, %rem3A_392, %ne3A_393 : i32
          %lt3A_395 = arith.constant 0 : i32
          %lt3A_396 = arith.cmpi slt, %rem3A_392, %lt3A_395 : i32
          %lt3A_397 = arith.constant 0 : i32
          %lt3A_398 = arith.cmpi slt, %select_n3A_391, %lt3A_397 : i32
          %ne3A_399 = arith.xori %lt3A_396, %lt3A_398 : i1
          %and3A_400 = arith.andi %ne3A_399, %ne3A_394 : i1
          %add3A_401 = arith.addi %rem3A_392, %select_n3A_391 : i32
          %select_n3A_402 = arith.select %and3A_400, %add3A_401, %rem3A_392 : i32
          %mul3A_403 = arith.constant 16000 : i32
          %mul3A_404 = arith.muli %select_n3A_402, %mul3A_403 : i32
          %dma_start3A_405 = tpu.memref_slice %arg5[%mul3A_404] : memref<32000xf32, #tpu.memory_space<vmem>> -> memref<16000xf32, #tpu.memory_space<vmem>>
          %dma_start3A_406 = tpu.memref_slice %arg2[%mul3A_386] : memref<16384000xf32, #tpu.memory_space<hbm>> -> memref<16000xf32, #tpu.memory_space<hbm>>
          %dma_start3A_407 = tpu.memref_slice %arg5[%mul3A_404] : memref<32000xf32, #tpu.memory_space<vmem>> -> memref<16000xf32, #tpu.memory_space<vmem>>
          %dma_start3A_408 = tpu.memref_slice %arg2[%mul3A_386] : memref<16384000xf32, #tpu.memory_space<hbm>> -> memref<16000xf32, #tpu.memory_space<hbm>>
          tpu.enqueue_dma source(%dma_start3A_408 : memref<16000xf32, #tpu.memory_space<hbm>>) target(%dma_start3A_407 : memref<16000xf32, #tpu.memory_space<vmem>>) target_semaphore(%arg10 : memref<!tpu.dma_semaphore, #tpu.memory_space<semaphore_mem>>)
        } else {
        }
        %ne3A_375 = arith.constant 0 : i32
        %ne3A_376 = arith.cmpi ne, %rem3A_94, %ne3A_375 : i32
        %convert_element_type3A_377 = arith.extui %ne3A_376 : i1 to i32
        %cond3A_378 = arith.constant 0 : i32
        %cond3A_379 = arith.cmpi ne, %convert_element_type3A_377, %cond3A_378 : i32
        scf.if %cond3A_379 {
          %add3A_380 = arith.constant 1 : i32
          %add3A_381 = arith.addi %scan3A_92, %add3A_380 : i32
          %mul3A_382 = arith.constant 16 : i32
          %mul3A_383 = arith.muli %add3A_381, %mul3A_382 : i32
          %add3A_384 = arith.addi %mul3A_2, %mul3A_383 : i32
          %mul3A_385 = arith.constant 1000 : i32
          %mul3A_386 = arith.muli %add3A_384, %mul3A_385 : i32
          %jit3A_387 = arith.constant 2 : i32
          %eq3A_388 = arith.constant 0 : i32
          %eq3A_389 = arith.cmpi eq, %jit3A_387, %eq3A_388 : i32
          %jit3A_390 = arith.constant 1 : i32
          %select_n3A_391 = arith.select %eq3A_389, %jit3A_390, %jit3A_387 : i32
          %rem3A_392 = arith.remsi %add3A_381, %select_n3A_391 : i32
          %ne3A_393 = arith.constant 0 : i32
          %ne3A_394 = arith.cmpi ne, %rem3A_392, %ne3A_393 : i32
          %lt3A_395 = arith.constant 0 : i32
          %lt3A_396 = arith.cmpi slt, %rem3A_392, %lt3A_395 : i32
          %lt3A_397 = arith.constant 0 : i32
          %lt3A_398 = arith.cmpi slt, %select_n3A_391, %lt3A_397 : i32
          %ne3A_399 = arith.xori %lt3A_396, %lt3A_398 : i1
          %and3A_400 = arith.andi %ne3A_399, %ne3A_394 : i1
          %add3A_401 = arith.addi %rem3A_392, %select_n3A_391 : i32
          %select_n3A_402 = arith.select %and3A_400, %add3A_401, %rem3A_392 : i32
          %mul3A_403 = arith.constant 16000 : i32
          %mul3A_404 = arith.muli %select_n3A_402, %mul3A_403 : i32
          %dma_start3A_405 = tpu.memref_slice %arg5[%mul3A_404] : memref<32000xf32, #tpu.memory_space<vmem>> -> memref<16000xf32, #tpu.memory_space<vmem>>
          %dma_start3A_406 = tpu.memref_slice %arg2[%mul3A_386] : memref<16384000xf32, #tpu.memory_space<hbm>> -> memref<16000xf32, #tpu.memory_space<hbm>>
          %dma_start3A_407 = tpu.memref_slice %arg5[%mul3A_404] : memref<32000xf32, #tpu.memory_space<vmem>> -> memref<16000xf32, #tpu.memory_space<vmem>>
          %dma_start3A_408 = tpu.memref_slice %arg2[%mul3A_386] : memref<16384000xf32, #tpu.memory_space<hbm>> -> memref<16000xf32, #tpu.memory_space<hbm>>
          tpu.enqueue_dma source(%dma_start3A_408 : memref<16000xf32, #tpu.memory_space<hbm>>) target(%dma_start3A_407 : memref<16000xf32, #tpu.memory_space<vmem>>) target_semaphore(%arg9 : memref<!tpu.dma_semaphore, #tpu.memory_space<semaphore_mem>>)
        } else {
        }
      } else {
      }
      %swap3A_109 = arith.constant 0 : index
      %swap3A_110 = tpu.vector_load %arg7[%swap3A_109] {strides = array<i32>} : memref<224xi32, #tpu.memory_space<vmem>>, vector<16xi32>,
      tpu.vector_store %arg7[%swap3A_109], %broadcast_in_dim3A_9 {strides = array<i32>} : memref<224xi32, #tpu.memory_space<vmem>>, vector<16xi32>,
      %swap3A_111 = arith.constant 16 : index
      %swap3A_112 = tpu.vector_load %arg7[%swap3A_111] {strides = array<i32>} : memref<224xi32, #tpu.memory_space<vmem>>, vector<16xi32>,
      tpu.vector_store %arg7[%swap3A_111], %broadcast_in_dim3A_9 {strides = array<i32>} : memref<224xi32, #tpu.memory_space<vmem>>, vector<16xi32>,
      %swap3A_113 = arith.constant 32 : index
      %swap3A_114 = tpu.vector_load %arg7[%swap3A_113] {strides = array<i32>} : memref<224xi32, #tpu.memory_space<vmem>>, vector<16xi32>,
      tpu.vector_store %arg7[%swap3A_113], %broadcast_in_dim3A_9 {strides = array<i32>} : memref<224xi32, #tpu.memory_space<vmem>>, vector<16xi32>,
      %swap3A_115 = arith.constant 48 : index
      %swap3A_116 = tpu.vector_load %arg7[%swap3A_115] {strides = array<i32>} : memref<224xi32, #tpu.memory_space<vmem>>, vector<16xi32>,
      tpu.vector_store %arg7[%swap3A_115], %broadcast_in_dim3A_9 {strides = array<i32>} : memref<224xi32, #tpu.memory_space<vmem>>, vector<16xi32>,
      %swap3A_117 = arith.constant 64 : index
      %swap3A_118 = tpu.vector_load %arg7[%swap3A_117] {strides = array<i32>} : memref<224xi32, #tpu.memory_space<vmem>>, vector<16xi32>,
      tpu.vector_store %arg7[%swap3A_117], %broadcast_in_dim3A_9 {strides = array<i32>} : memref<224xi32, #tpu.memory_space<vmem>>, vector<16xi32>,
      %swap3A_119 = arith.constant 80 : index
      %swap3A_120 = tpu.vector_load %arg7[%swap3A_119] {strides = array<i32>} : memref<224xi32, #tpu.memory_space<vmem>>, vector<16xi32>,
      tpu.vector_store %arg7[%swap3A_119], %broadcast_in_dim3A_9 {strides = array<i32>} : memref<224xi32, #tpu.memory_space<vmem>>, vector<16xi32>,
      %swap3A_121 = arith.constant 96 : index
      %swap3A_122 = tpu.vector_load %arg7[%swap3A_121] {strides = array<i32>} : memref<224xi32, #tpu.memory_space<vmem>>, vector<16xi32>,
      tpu.vector_store %arg7[%swap3A_121], %broadcast_in_dim3A_9 {strides = array<i32>} : memref<224xi32, #tpu.memory_space<vmem>>, vector<16xi32>,
      %swap3A_123 = arith.constant 112 : index
      %swap3A_124 = tpu.vector_load %arg7[%swap3A_123] {strides = array<i32>} : memref<224xi32, #tpu.memory_space<vmem>>, vector<16xi32>,
      tpu.vector_store %arg7[%swap3A_123], %broadcast_in_dim3A_9 {strides = array<i32>} : memref<224xi32, #tpu.memory_space<vmem>>, vector<16xi32>,
      %swap3A_125 = arith.constant 128 : index
      %swap3A_126 = tpu.vector_load %arg7[%swap3A_125] {strides = array<i32>} : memref<224xi32, #tpu.memory_space<vmem>>, vector<16xi32>,
      tpu.vector_store %arg7[%swap3A_125], %broadcast_in_dim3A_9 {strides = array<i32>} : memref<224xi32, #tpu.memory_space<vmem>>, vector<16xi32>,
      %swap3A_127 = arith.constant 144 : index
      %swap3A_128 = tpu.vector_load %arg7[%swap3A_127] {strides = array<i32>} : memref<224xi32, #tpu.memory_space<vmem>>, vector<16xi32>,
      tpu.vector_store %arg7[%swap3A_127], %broadcast_in_dim3A_9 {strides = array<i32>} : memref<224xi32, #tpu.memory_space<vmem>>, vector<16xi32>,
      %swap3A_129 = arith.constant 160 : index
      %swap3A_130 = tpu.vector_load %arg7[%swap3A_129] {strides = array<i32>} : memref<224xi32, #tpu.memory_space<vmem>>, vector<16xi32>,
      tpu.vector_store %arg7[%swap3A_129], %broadcast_in_dim3A_9 {strides = array<i32>} : memref<224xi32, #tpu.memory_space<vmem>>, vector<16xi32>,
      %swap3A_131 = arith.constant 176 : index
      %swap3A_132 = tpu.vector_load %arg7[%swap3A_131] {strides = array<i32>} : memref<224xi32, #tpu.memory_space<vmem>>, vector<16xi32>,
      tpu.vector_store %arg7[%swap3A_131], %broadcast_in_dim3A_9 {strides = array<i32>} : memref<224xi32, #tpu.memory_space<vmem>>, vector<16xi32>,
      %swap3A_133 = arith.constant 192 : index
      %swap3A_134 = tpu.vector_load %arg7[%swap3A_133] {strides = array<i32>} : memref<224xi32, #tpu.memory_space<vmem>>, vector<16xi32>,
      tpu.vector_store %arg7[%swap3A_133], %broadcast_in_dim3A_9 {strides = array<i32>} : memref<224xi32, #tpu.memory_space<vmem>>, vector<16xi32>,
      %swap3A_135 = arith.constant 208 : index
      %swap3A_136 = tpu.vector_load %arg7[%swap3A_135] {strides = array<i32>} : memref<224xi32, #tpu.memory_space<vmem>>, vector<16xi32>,
      tpu.vector_store %arg7[%swap3A_135], %broadcast_in_dim3A_9 {strides = array<i32>} : memref<224xi32, #tpu.memory_space<vmem>>, vector<16xi32>,
      %add3A_137 = vector.broadcast %mul3A_96 : i32 to vector<16xi32>
      %add3A_138 = arith.addi %mul3A_5, %add3A_137 : vector<16xi32>
      %scan3A_139 = arith.constant 0 : i32
      %scan3A_140 = arith.constant 125 : i32
      %scan3A_141 = arith.addi %scan3A_139, %scan3A_140 : i32
      %scan3A_142 = arith.constant 1 : i32
      %scan3A_143:8 = scf.for %scan3A_370 = %scan3A_139 to %scan3A_141 step %scan3A_142 iter_args(%scan3A_371 = %broadcast_in_dim3A_17, %scan3A_372 = %broadcast_in_dim3A_17, %scan3A_373 = %broadcast_in_dim3A_17, %scan3A_374 = %broadcast_in_dim3A_17, %scan3A_375 = %broadcast_in_dim3A_9, %scan3A_376 = %broadcast_in_dim3A_9, %scan3A_377 = %broadcast_in_dim3A_9, %scan3A_378 = %broadcast_in_dim3A_9) -> (vector<16xf32>, vector<16xf32>, vector<16xf32>, vector<16xf32>, vector<16xi32>, vector<16xi32>, vector<16xi32>, vector<16xi32>)  : i32 {
        %mul3A_379 = arith.constant 8 : i32
        %mul3A_380 = arith.muli %scan3A_370, %mul3A_379 : i32
        %add3A_381 = arith.constant 0 : i32
        %add3A_382 = arith.addi %mul3A_380, %add3A_381 : i32
        %broadcast_in_dim3A_383 = vector.broadcast %add3A_382 : i32 to vector<16xi32>
        %add3A_384 = arith.addi %add3A_138, %broadcast_in_dim3A_383 : vector<16xi32>
        %gather3A = tpu.vector_load_idx %arg5[%add3A_384] : memref<32000xf32, #tpu.memory_space<vmem>>[vector<16xi32>], vector<16xf32>,
        %gt3A_385 = arith.cmpf ogt, %gather3A, %scan3A_371 : vector<16xf32>
        %select_n3A_386 = arith.select %gt3A_385, %broadcast_in_dim3A_383, %scan3A_375 : vector<16xi1>, vector<16xi32>
        %max3A_387 = arith.maximumf %scan3A_371, %gather3A : vector<16xf32>
        %max3A_388 = arith.constant -1.000000e+00 : f32
        %max3A_389 = vector.broadcast %max3A_388 : f32 to vector<16xf32>
        %max3A_390 = arith.maximumf %gather3A, %max3A_389 : vector<16xf32>
        %min3A = arith.constant 1.200000e+01 : f32
        %min3A_391 = vector.broadcast %min3A : f32 to vector<16xf32>
        %min3A_392 = arith.minimumf %max3A_390, %min3A_391 : vector<16xf32>
        %convert_element_type3A_393 = arith.fptosi %min3A_392 : vector<16xf32> to vector<16xi32>
        %convert_element_type3A_394 = arith.sitofp %convert_element_type3A_393 : vector<16xi32> to vector<16xf32>
        %gt3A_395 = arith.cmpf ogt, %min3A_392, %convert_element_type3A_394 : vector<16xf32>
        %shift_left3A = arith.constant 4 : i32
        %shift_left3A_396 = vector.broadcast %shift_left3A : i32 to vector<16xi32>
        %shift_left3A_397 = arith.shli %convert_element_type3A_393, %shift_left3A_396 : vector<16xi32>
        %add3A_398 = arith.addi %shift_left3A_397, %add3A_8 : vector<16xi32>
        %select_n3A_399 = arith.select %gt3A_395, %broadcast_in_dim3A_9, %broadcast_in_dim3A_15 : vector<16xi1>, vector<16xi32>
        %sub3A = arith.subi %add3A_398, %select_n3A_399 : vector<16xi32>
        tpu.vector_store_idx %arg7[%sub3A], %broadcast_in_dim3A_13 {add = true} : memref<224xi32, #tpu.memory_space<vmem>>[vector<16xi32>], vector<16xi32>,
        %add3A_400 = arith.constant 1 : i32
        %add3A_401 = arith.addi %mul3A_380, %add3A_400 : i32
        %broadcast_in_dim3A_402 = vector.broadcast %add3A_401 : i32 to vector<16xi32>
        %add3A_403 = arith.addi %add3A_138, %broadcast_in_dim3A_402 : vector<16xi32>
        %gather3A_404 = tpu.vector_load_idx %arg5[%add3A_403] : memref<32000xf32, #tpu.memory_space<vmem>>[vector<16xi32>], vector<16xf32>,
        %gt3A_405 = arith.cmpf ogt, %gather3A_404, %scan3A_372 : vector<16xf32>
        %select_n3A_406 = arith.select %gt3A_405, %broadcast_in_dim3A_402, %scan3A_376 : vector<16xi1>, vector<16xi32>
        %max3A_407 = arith.maximumf %scan3A_372, %gather3A_404 : vector<16xf32>
        %max3A_408 = arith.constant -1.000000e+00 : f32
        %max3A_409 = vector.broadcast %max3A_408 : f32 to vector<16xf32>
        %max3A_410 = arith.maximumf %gather3A_404, %max3A_409 : vector<16xf32>
        %min3A_411 = arith.constant 1.200000e+01 : f32
        %min3A_412 = vector.broadcast %min3A_411 : f32 to vector<16xf32>
        %min3A_413 = arith.minimumf %max3A_410, %min3A_412 : vector<16xf32>
        %convert_element_type3A_414 = arith.fptosi %min3A_413 : vector<16xf32> to vector<16xi32>
        %convert_element_type3A_415 = arith.sitofp %convert_element_type3A_414 : vector<16xi32> to vector<16xf32>
        %gt3A_416 = arith.cmpf ogt, %min3A_413, %convert_element_type3A_415 : vector<16xf32>
        %shift_left3A_417 = arith.constant 4 : i32
        %shift_left3A_418 = vector.broadcast %shift_left3A_417 : i32 to vector<16xi32>
        %shift_left3A_419 = arith.shli %convert_element_type3A_414, %shift_left3A_418 : vector<16xi32>
        %add3A_420 = arith.addi %shift_left3A_419, %add3A_8 : vector<16xi32>
        %select_n3A_421 = arith.select %gt3A_416, %broadcast_in_dim3A_9, %broadcast_in_dim3A_15 : vector<16xi1>, vector<16xi32>
        %sub3A_422 = arith.subi %add3A_420, %select_n3A_421 : vector<16xi32>
        tpu.vector_store_idx %arg7[%sub3A_422], %broadcast_in_dim3A_13 {add = true} : memref<224xi32, #tpu.memory_space<vmem>>[vector<16xi32>], vector<16xi32>,
        %add3A_423 = arith.constant 2 : i32
        %add3A_424 = arith.addi %mul3A_380, %add3A_423 : i32
        %broadcast_in_dim3A_425 = vector.broadcast %add3A_424 : i32 to vector<16xi32>
        %add3A_426 = arith.addi %add3A_138, %broadcast_in_dim3A_425 : vector<16xi32>
        %gather3A_427 = tpu.vector_load_idx %arg5[%add3A_426] : memref<32000xf32, #tpu.memory_space<vmem>>[vector<16xi32>], vector<16xf32>,
        %gt3A_428 = arith.cmpf ogt, %gather3A_427, %scan3A_373 : vector<16xf32>
        %select_n3A_429 = arith.select %gt3A_428, %broadcast_in_dim3A_425, %scan3A_377 : vector<16xi1>, vector<16xi32>
        %max3A_430 = arith.maximumf %scan3A_373, %gather3A_427 : vector<16xf32>
        %max3A_431 = arith.constant -1.000000e+00 : f32
        %max3A_432 = vector.broadcast %max3A_431 : f32 to vector<16xf32>
        %max3A_433 = arith.maximumf %gather3A_427, %max3A_432 : vector<16xf32>
        %min3A_434 = arith.constant 1.200000e+01 : f32
        %min3A_435 = vector.broadcast %min3A_434 : f32 to vector<16xf32>
        %min3A_436 = arith.minimumf %max3A_433, %min3A_435 : vector<16xf32>
        %convert_element_type3A_437 = arith.fptosi %min3A_436 : vector<16xf32> to vector<16xi32>
        %convert_element_type3A_438 = arith.sitofp %convert_element_type3A_437 : vector<16xi32> to vector<16xf32>
        %gt3A_439 = arith.cmpf ogt, %min3A_436, %convert_element_type3A_438 : vector<16xf32>
        %shift_left3A_440 = arith.constant 4 : i32
        %shift_left3A_441 = vector.broadcast %shift_left3A_440 : i32 to vector<16xi32>
        %shift_left3A_442 = arith.shli %convert_element_type3A_437, %shift_left3A_441 : vector<16xi32>
        %add3A_443 = arith.addi %shift_left3A_442, %add3A_8 : vector<16xi32>
        %select_n3A_444 = arith.select %gt3A_439, %broadcast_in_dim3A_9, %broadcast_in_dim3A_15 : vector<16xi1>, vector<16xi32>
        %sub3A_445 = arith.subi %add3A_443, %select_n3A_444 : vector<16xi32>
        tpu.vector_store_idx %arg7[%sub3A_445], %broadcast_in_dim3A_13 {add = true} : memref<224xi32, #tpu.memory_space<vmem>>[vector<16xi32>], vector<16xi32>,
        %add3A_446 = arith.constant 3 : i32
        %add3A_447 = arith.addi %mul3A_380, %add3A_446 : i32
        %broadcast_in_dim3A_448 = vector.broadcast %add3A_447 : i32 to vector<16xi32>
        %add3A_449 = arith.addi %add3A_138, %broadcast_in_dim3A_448 : vector<16xi32>
        %gather3A_450 = tpu.vector_load_idx %arg5[%add3A_449] : memref<32000xf32, #tpu.memory_space<vmem>>[vector<16xi32>], vector<16xf32>,
        %gt3A_451 = arith.cmpf ogt, %gather3A_450, %scan3A_374 : vector<16xf32>
        %select_n3A_452 = arith.select %gt3A_451, %broadcast_in_dim3A_448, %scan3A_378 : vector<16xi1>, vector<16xi32>
        %max3A_453 = arith.maximumf %scan3A_374, %gather3A_450 : vector<16xf32>
        %max3A_454 = arith.constant -1.000000e+00 : f32
        %max3A_455 = vector.broadcast %max3A_454 : f32 to vector<16xf32>
        %max3A_456 = arith.maximumf %gather3A_450, %max3A_455 : vector<16xf32>
        %min3A_457 = arith.constant 1.200000e+01 : f32
        %min3A_458 = vector.broadcast %min3A_457 : f32 to vector<16xf32>
        %min3A_459 = arith.minimumf %max3A_456, %min3A_458 : vector<16xf32>
        %convert_element_type3A_460 = arith.fptosi %min3A_459 : vector<16xf32> to vector<16xi32>
        %convert_element_type3A_461 = arith.sitofp %convert_element_type3A_460 : vector<16xi32> to vector<16xf32>
        %gt3A_462 = arith.cmpf ogt, %min3A_459, %convert_element_type3A_461 : vector<16xf32>
        %shift_left3A_463 = arith.constant 4 : i32
        %shift_left3A_464 = vector.broadcast %shift_left3A_463 : i32 to vector<16xi32>
        %shift_left3A_465 = arith.shli %convert_element_type3A_460, %shift_left3A_464 : vector<16xi32>
        %add3A_466 = arith.addi %shift_left3A_465, %add3A_8 : vector<16xi32>
        %select_n3A_467 = arith.select %gt3A_462, %broadcast_in_dim3A_9, %broadcast_in_dim3A_15 : vector<16xi1>, vector<16xi32>
        %sub3A_468 = arith.subi %add3A_466, %select_n3A_467 : vector<16xi32>
        tpu.vector_store_idx %arg7[%sub3A_468], %broadcast_in_dim3A_13 {add = true} : memref<224xi32, #tpu.memory_space<vmem>>[vector<16xi32>], vector<16xi32>,
        %add3A_469 = arith.constant 4 : i32
        %add3A_470 = arith.addi %mul3A_380, %add3A_469 : i32
        %broadcast_in_dim3A_471 = vector.broadcast %add3A_470 : i32 to vector<16xi32>
        %add3A_472 = arith.addi %add3A_138, %broadcast_in_dim3A_471 : vector<16xi32>
        %gather3A_473 = tpu.vector_load_idx %arg5[%add3A_472] : memref<32000xf32, #tpu.memory_space<vmem>>[vector<16xi32>], vector<16xf32>,
        %gt3A_474 = arith.cmpf ogt, %gather3A_473, %max3A_387 : vector<16xf32>
        %select_n3A_475 = arith.select %gt3A_474, %broadcast_in_dim3A_471, %select_n3A_386 : vector<16xi1>, vector<16xi32>
        %max3A_476 = arith.maximumf %max3A_387, %gather3A_473 : vector<16xf32>
        %max3A_477 = arith.constant -1.000000e+00 : f32
        %max3A_478 = vector.broadcast %max3A_477 : f32 to vector<16xf32>
        %max3A_479 = arith.maximumf %gather3A_473, %max3A_478 : vector<16xf32>
        %min3A_480 = arith.constant 1.200000e+01 : f32
        %min3A_481 = vector.broadcast %min3A_480 : f32 to vector<16xf32>
        %min3A_482 = arith.minimumf %max3A_479, %min3A_481 : vector<16xf32>
        %convert_element_type3A_483 = arith.fptosi %min3A_482 : vector<16xf32> to vector<16xi32>
        %convert_element_type3A_484 = arith.sitofp %convert_element_type3A_483 : vector<16xi32> to vector<16xf32>
        %gt3A_485 = arith.cmpf ogt, %min3A_482, %convert_element_type3A_484 : vector<16xf32>
        %shift_left3A_486 = arith.constant 4 : i32
        %shift_left3A_487 = vector.broadcast %shift_left3A_486 : i32 to vector<16xi32>
        %shift_left3A_488 = arith.shli %convert_element_type3A_483, %shift_left3A_487 : vector<16xi32>
        %add3A_489 = arith.addi %shift_left3A_488, %add3A_8 : vector<16xi32>
        %select_n3A_490 = arith.select %gt3A_485, %broadcast_in_dim3A_9, %broadcast_in_dim3A_15 : vector<16xi1>, vector<16xi32>
        %sub3A_491 = arith.subi %add3A_489, %select_n3A_490 : vector<16xi32>
        tpu.vector_store_idx %arg7[%sub3A_491], %broadcast_in_dim3A_13 {add = true} : memref<224xi32, #tpu.memory_space<vmem>>[vector<16xi32>], vector<16xi32>,
        %add3A_492 = arith.constant 5 : i32
        %add3A_493 = arith.addi %mul3A_380, %add3A_492 : i32
        %broadcast_in_dim3A_494 = vector.broadcast %add3A_493 : i32 to vector<16xi32>
        %add3A_495 = arith.addi %add3A_138, %broadcast_in_dim3A_494 : vector<16xi32>
        %gather3A_496 = tpu.vector_load_idx %arg5[%add3A_495] : memref<32000xf32, #tpu.memory_space<vmem>>[vector<16xi32>], vector<16xf32>,
        %gt3A_497 = arith.cmpf ogt, %gather3A_496, %max3A_407 : vector<16xf32>
        %select_n3A_498 = arith.select %gt3A_497, %broadcast_in_dim3A_494, %select_n3A_406 : vector<16xi1>, vector<16xi32>
        %max3A_499 = arith.maximumf %max3A_407, %gather3A_496 : vector<16xf32>
        %max3A_500 = arith.constant -1.000000e+00 : f32
        %max3A_501 = vector.broadcast %max3A_500 : f32 to vector<16xf32>
        %max3A_502 = arith.maximumf %gather3A_496, %max3A_501 : vector<16xf32>
        %min3A_503 = arith.constant 1.200000e+01 : f32
        %min3A_504 = vector.broadcast %min3A_503 : f32 to vector<16xf32>
        %min3A_505 = arith.minimumf %max3A_502, %min3A_504 : vector<16xf32>
        %convert_element_type3A_506 = arith.fptosi %min3A_505 : vector<16xf32> to vector<16xi32>
        %convert_element_type3A_507 = arith.sitofp %convert_element_type3A_506 : vector<16xi32> to vector<16xf32>
        %gt3A_508 = arith.cmpf ogt, %min3A_505, %convert_element_type3A_507 : vector<16xf32>
        %shift_left3A_509 = arith.constant 4 : i32
        %shift_left3A_510 = vector.broadcast %shift_left3A_509 : i32 to vector<16xi32>
        %shift_left3A_511 = arith.shli %convert_element_type3A_506, %shift_left3A_510 : vector<16xi32>
        %add3A_512 = arith.addi %shift_left3A_511, %add3A_8 : vector<16xi32>
        %select_n3A_513 = arith.select %gt3A_508, %broadcast_in_dim3A_9, %broadcast_in_dim3A_15 : vector<16xi1>, vector<16xi32>
        %sub3A_514 = arith.subi %add3A_512, %select_n3A_513 : vector<16xi32>
        tpu.vector_store_idx %arg7[%sub3A_514], %broadcast_in_dim3A_13 {add = true} : memref<224xi32, #tpu.memory_space<vmem>>[vector<16xi32>], vector<16xi32>,
        %add3A_515 = arith.constant 6 : i32
        %add3A_516 = arith.addi %mul3A_380, %add3A_515 : i32
        %broadcast_in_dim3A_517 = vector.broadcast %add3A_516 : i32 to vector<16xi32>
        %add3A_518 = arith.addi %add3A_138, %broadcast_in_dim3A_517 : vector<16xi32>
        %gather3A_519 = tpu.vector_load_idx %arg5[%add3A_518] : memref<32000xf32, #tpu.memory_space<vmem>>[vector<16xi32>], vector<16xf32>,
        %gt3A_520 = arith.cmpf ogt, %gather3A_519, %max3A_430 : vector<16xf32>
        %select_n3A_521 = arith.select %gt3A_520, %broadcast_in_dim3A_517, %select_n3A_429 : vector<16xi1>, vector<16xi32>
        %max3A_522 = arith.maximumf %max3A_430, %gather3A_519 : vector<16xf32>
        %max3A_523 = arith.constant -1.000000e+00 : f32
        %max3A_524 = vector.broadcast %max3A_523 : f32 to vector<16xf32>
        %max3A_525 = arith.maximumf %gather3A_519, %max3A_524 : vector<16xf32>
        %min3A_526 = arith.constant 1.200000e+01 : f32
        %min3A_527 = vector.broadcast %min3A_526 : f32 to vector<16xf32>
        %min3A_528 = arith.minimumf %max3A_525, %min3A_527 : vector<16xf32>
        %convert_element_type3A_529 = arith.fptosi %min3A_528 : vector<16xf32> to vector<16xi32>
        %convert_element_type3A_530 = arith.sitofp %convert_element_type3A_529 : vector<16xi32> to vector<16xf32>
        %gt3A_531 = arith.cmpf ogt, %min3A_528, %convert_element_type3A_530 : vector<16xf32>
        %shift_left3A_532 = arith.constant 4 : i32
        %shift_left3A_533 = vector.broadcast %shift_left3A_532 : i32 to vector<16xi32>
        %shift_left3A_534 = arith.shli %convert_element_type3A_529, %shift_left3A_533 : vector<16xi32>
        %add3A_535 = arith.addi %shift_left3A_534, %add3A_8 : vector<16xi32>
        %select_n3A_536 = arith.select %gt3A_531, %broadcast_in_dim3A_9, %broadcast_in_dim3A_15 : vector<16xi1>, vector<16xi32>
        %sub3A_537 = arith.subi %add3A_535, %select_n3A_536 : vector<16xi32>
        tpu.vector_store_idx %arg7[%sub3A_537], %broadcast_in_dim3A_13 {add = true} : memref<224xi32, #tpu.memory_space<vmem>>[vector<16xi32>], vector<16xi32>,
        %add3A_538 = arith.constant 7 : i32
        %add3A_539 = arith.addi %mul3A_380, %add3A_538 : i32
        %broadcast_in_dim3A_540 = vector.broadcast %add3A_539 : i32 to vector<16xi32>
        %add3A_541 = arith.addi %add3A_138, %broadcast_in_dim3A_540 : vector<16xi32>
        %gather3A_542 = tpu.vector_load_idx %arg5[%add3A_541] : memref<32000xf32, #tpu.memory_space<vmem>>[vector<16xi32>], vector<16xf32>,
        %gt3A_543 = arith.cmpf ogt, %gather3A_542, %max3A_453 : vector<16xf32>
        %select_n3A_544 = arith.select %gt3A_543, %broadcast_in_dim3A_540, %select_n3A_452 : vector<16xi1>, vector<16xi32>
        %max3A_545 = arith.maximumf %max3A_453, %gather3A_542 : vector<16xf32>
        %max3A_546 = arith.constant -1.000000e+00 : f32
        %max3A_547 = vector.broadcast %max3A_546 : f32 to vector<16xf32>
        %max3A_548 = arith.maximumf %gather3A_542, %max3A_547 : vector<16xf32>
        %min3A_549 = arith.constant 1.200000e+01 : f32
        %min3A_550 = vector.broadcast %min3A_549 : f32 to vector<16xf32>
        %min3A_551 = arith.minimumf %max3A_548, %min3A_550 : vector<16xf32>
        %convert_element_type3A_552 = arith.fptosi %min3A_551 : vector<16xf32> to vector<16xi32>
        %convert_element_type3A_553 = arith.sitofp %convert_element_type3A_552 : vector<16xi32> to vector<16xf32>
        %gt3A_554 = arith.cmpf ogt, %min3A_551, %convert_element_type3A_553 : vector<16xf32>
        %shift_left3A_555 = arith.constant 4 : i32
        %shift_left3A_556 = vector.broadcast %shift_left3A_555 : i32 to vector<16xi32>
        %shift_left3A_557 = arith.shli %convert_element_type3A_552, %shift_left3A_556 : vector<16xi32>
        %add3A_558 = arith.addi %shift_left3A_557, %add3A_8 : vector<16xi32>
        %select_n3A_559 = arith.select %gt3A_554, %broadcast_in_dim3A_9, %broadcast_in_dim3A_15 : vector<16xi1>, vector<16xi32>
        %sub3A_560 = arith.subi %add3A_558, %select_n3A_559 : vector<16xi32>
        tpu.vector_store_idx %arg7[%sub3A_560], %broadcast_in_dim3A_13 {add = true} : memref<224xi32, #tpu.memory_space<vmem>>[vector<16xi32>], vector<16xi32>,
        scf.yield %max3A_476, %max3A_499, %max3A_522, %max3A_545, %select_n3A_475, %select_n3A_498, %select_n3A_521, %select_n3A_544 : vector<16xf32>, vector<16xf32>, vector<16xf32>, vector<16xf32>, vector<16xi32>, vector<16xi32>, vector<16xi32>, vector<16xi32>
      }
      %scan3A_144 = arith.constant 125 : i32
      %gt3A = arith.cmpf ogt, %scan3A_143#1, %scan3A_143#0 : vector<16xf32>
      %eq3A_145 = arith.cmpf oeq, %scan3A_143#1, %scan3A_143#0 : vector<16xf32>
      %lt3A_146 = arith.cmpi slt, %scan3A_143#5, %scan3A_143#4 : vector<16xi32>
      %and3A = arith.andi %eq3A_145, %lt3A_146 : vector<16xi1>
      %or3A = arith.ori %gt3A, %and3A : vector<16xi1>
      %max3A = arith.maximumf %scan3A_143#0, %scan3A_143#1 : vector<16xf32>
      %select_n3A = arith.select %or3A, %scan3A_143#5, %scan3A_143#4 : vector<16xi1>, vector<16xi32>
      %gt3A_147 = arith.cmpf ogt, %scan3A_143#3, %scan3A_143#2 : vector<16xf32>
      %eq3A_148 = arith.cmpf oeq, %scan3A_143#3, %scan3A_143#2 : vector<16xf32>
      %lt3A_149 = arith.cmpi slt, %scan3A_143#7, %scan3A_143#6 : vector<16xi32>
      %and3A_150 = arith.andi %eq3A_148, %lt3A_149 : vector<16xi1>
      %or3A_151 = arith.ori %gt3A_147, %and3A_150 : vector<16xi1>
      %max3A_152 = arith.maximumf %scan3A_143#2, %scan3A_143#3 : vector<16xf32>
      %select_n3A_153 = arith.select %or3A_151, %scan3A_143#7, %scan3A_143#6 : vector<16xi1>, vector<16xi32>
      %gt3A_154 = arith.cmpf ogt, %max3A_152, %max3A : vector<16xf32>
      %eq3A_155 = arith.cmpf oeq, %max3A_152, %max3A : vector<16xf32>
      %lt3A_156 = arith.cmpi slt, %select_n3A_153, %select_n3A : vector<16xi32>
      %and3A_157 = arith.andi %eq3A_155, %lt3A_156 : vector<16xi1>
      %or3A_158 = arith.ori %gt3A_154, %and3A_157 : vector<16xi1>
      %max3A_159 = arith.maximumf %max3A, %max3A_152 : vector<16xf32>
      %select_n3A_160 = arith.select %or3A_158, %select_n3A_153, %select_n3A : vector<16xi1>, vector<16xi32>
      %mul3A_161 = arith.constant 16 : i32
      %mul3A_162 = arith.muli %scan3A_92, %mul3A_161 : i32
      %get3A = arith.index_cast %mul3A_162 : i32 to index
      %get3A_163 = tpu.vector_load %arg6[%get3A] {strides = array<i32>} : memref<512xi32, #tpu.memory_space<vmem>>, vector<16xi32>,
      %eq3A_164 = arith.cmpi eq, %select_n3A_160, %get3A_163 : vector<16xi32>
      %jit3A = arith.constant 1.000000e+00 : f32
      %jit3A_165 = arith.constant 0.000000e+00 : f32
      %broadcast_in_dim3A_166 = vector.broadcast %jit3A : f32 to vector<16xf32>
      %broadcast_in_dim3A_167 = vector.broadcast %jit3A_165 : f32 to vector<16xf32>
      %select_n3A_168 = arith.select %eq3A_164, %broadcast_in_dim3A_166, %broadcast_in_dim3A_167 : vector<16xi1>, vector<16xf32>
      %get3A_169 = arith.constant 32 : index
      %get3A_170 = tpu.vector_load %arg7[%get3A_169] {strides = array<i32>} : memref<224xi32, #tpu.memory_space<vmem>>, vector<16xi32>,
      %convert_element_type3A_171 = arith.sitofp %get3A_170 : vector<16xi32> to vector<16xf32>
      %get3A_172 = arith.constant 0 : index
      %get3A_173 = tpu.vector_load %arg8[%get3A_172] {strides = array<i32>} : memref<480xf32, #tpu.memory_space<vmem>>, vector<16xf32>,
      %add3A_174 = arith.addf %get3A_173, %convert_element_type3A_171 : vector<16xf32>
      %swap3A_175 = arith.constant 0 : index
      %swap3A_176 = tpu.vector_load %arg8[%swap3A_175] {strides = array<i32>} : memref<480xf32, #tpu.memory_space<vmem>>, vector<16xf32>,
      tpu.vector_store %arg8[%swap3A_175], %add3A_174 {strides = array<i32>} : memref<480xf32, #tpu.memory_space<vmem>>, vector<16xf32>,
      %get3A_177 = arith.constant 160 : index
      %get3A_178 = tpu.vector_load %arg8[%get3A_177] {strides = array<i32>} : memref<480xf32, #tpu.memory_space<vmem>>, vector<16xf32>,
      %mul3A_179 = arith.mulf %max3A_159, %convert_element_type3A_171 : vector<16xf32>
      %add3A_180 = arith.addf %get3A_178, %mul3A_179 : vector<16xf32>
      %swap3A_181 = arith.constant 160 : index
      %swap3A_182 = tpu.vector_load %arg8[%swap3A_181] {strides = array<i32>} : memref<480xf32, #tpu.memory_space<vmem>>, vector<16xf32>,
      tpu.vector_store %arg8[%swap3A_181], %add3A_180 {strides = array<i32>} : memref<480xf32, #tpu.memory_space<vmem>>, vector<16xf32>,
      %get3A_183 = arith.constant 320 : index
      %get3A_184 = tpu.vector_load %arg8[%get3A_183] {strides = array<i32>} : memref<480xf32, #tpu.memory_space<vmem>>, vector<16xf32>,
      %mul3A_185 = arith.mulf %select_n3A_168, %convert_element_type3A_171 : vector<16xf32>
      %add3A_186 = arith.addf %get3A_184, %mul3A_185 : vector<16xf32>
      %swap3A_187 = arith.constant 320 : index
      %swap3A_188 = tpu.vector_load %arg8[%swap3A_187] {strides = array<i32>} : memref<480xf32, #tpu.memory_space<vmem>>, vector<16xf32>,
      tpu.vector_store %arg8[%swap3A_187], %add3A_186 {strides = array<i32>} : memref<480xf32, #tpu.memory_space<vmem>>, vector<16xf32>,
      %get3A_189 = arith.constant 48 : index
      %get3A_190 = tpu.vector_load %arg7[%get3A_189] {strides = array<i32>} : memref<224xi32, #tpu.memory_space<vmem>>, vector<16xi32>,
      %convert_element_type3A_191 = arith.sitofp %get3A_190 : vector<16xi32> to vector<16xf32>
      %get3A_192 = arith.constant 16 : index
      %get3A_193 = tpu.vector_load %arg8[%get3A_192] {strides = array<i32>} : memref<480xf32, #tpu.memory_space<vmem>>, vector<16xf32>,
      %add3A_194 = arith.addf %get3A_193, %convert_element_type3A_191 : vector<16xf32>
      %swap3A_195 = arith.constant 16 : index
      %swap3A_196 = tpu.vector_load %arg8[%swap3A_195] {strides = array<i32>} : memref<480xf32, #tpu.memory_space<vmem>>, vector<16xf32>,
      tpu.vector_store %arg8[%swap3A_195], %add3A_194 {strides = array<i32>} : memref<480xf32, #tpu.memory_space<vmem>>, vector<16xf32>,
      %get3A_197 = arith.constant 176 : index
      %get3A_198 = tpu.vector_load %arg8[%get3A_197] {strides = array<i32>} : memref<480xf32, #tpu.memory_space<vmem>>, vector<16xf32>,
      %mul3A_199 = arith.mulf %max3A_159, %convert_element_type3A_191 : vector<16xf32>
      %add3A_200 = arith.addf %get3A_198, %mul3A_199 : vector<16xf32>
      %swap3A_201 = arith.constant 176 : index
      %swap3A_202 = tpu.vector_load %arg8[%swap3A_201] {strides = array<i32>} : memref<480xf32, #tpu.memory_space<vmem>>, vector<16xf32>,
      tpu.vector_store %arg8[%swap3A_201], %add3A_200 {strides = array<i32>} : memref<480xf32, #tpu.memory_space<vmem>>, vector<16xf32>,
      %get3A_203 = arith.constant 336 : index
      %get3A_204 = tpu.vector_load %arg8[%get3A_203] {strides = array<i32>} : memref<480xf32, #tpu.memory_space<vmem>>, vector<16xf32>,
      %mul3A_205 = arith.mulf %select_n3A_168, %convert_element_type3A_191 : vector<16xf32>
      %add3A_206 = arith.addf %get3A_204, %mul3A_205 : vector<16xf32>
      %swap3A_207 = arith.constant 336 : index
      %swap3A_208 = tpu.vector_load %arg8[%swap3A_207] {strides = array<i32>} : memref<480xf32, #tpu.memory_space<vmem>>, vector<16xf32>,
      tpu.vector_store %arg8[%swap3A_207], %add3A_206 {strides = array<i32>} : memref<480xf32, #tpu.memory_space<vmem>>, vector<16xf32>,
      %get3A_209 = arith.constant 64 : index
      %get3A_210 = tpu.vector_load %arg7[%get3A_209] {strides = array<i32>} : memref<224xi32, #tpu.memory_space<vmem>>, vector<16xi32>,
      %convert_element_type3A_211 = arith.sitofp %get3A_210 : vector<16xi32> to vector<16xf32>
      %get3A_212 = arith.constant 32 : index
      %get3A_213 = tpu.vector_load %arg8[%get3A_212] {strides = array<i32>} : memref<480xf32, #tpu.memory_space<vmem>>, vector<16xf32>,
      %add3A_214 = arith.addf %get3A_213, %convert_element_type3A_211 : vector<16xf32>
      %swap3A_215 = arith.constant 32 : index
      %swap3A_216 = tpu.vector_load %arg8[%swap3A_215] {strides = array<i32>} : memref<480xf32, #tpu.memory_space<vmem>>, vector<16xf32>,
      tpu.vector_store %arg8[%swap3A_215], %add3A_214 {strides = array<i32>} : memref<480xf32, #tpu.memory_space<vmem>>, vector<16xf32>,
      %get3A_217 = arith.constant 192 : index
      %get3A_218 = tpu.vector_load %arg8[%get3A_217] {strides = array<i32>} : memref<480xf32, #tpu.memory_space<vmem>>, vector<16xf32>,
      %mul3A_219 = arith.mulf %max3A_159, %convert_element_type3A_211 : vector<16xf32>
      %add3A_220 = arith.addf %get3A_218, %mul3A_219 : vector<16xf32>
      %swap3A_221 = arith.constant 192 : index
      %swap3A_222 = tpu.vector_load %arg8[%swap3A_221] {strides = array<i32>} : memref<480xf32, #tpu.memory_space<vmem>>, vector<16xf32>,
      tpu.vector_store %arg8[%swap3A_221], %add3A_220 {strides = array<i32>} : memref<480xf32, #tpu.memory_space<vmem>>, vector<16xf32>,
      %get3A_223 = arith.constant 352 : index
      %get3A_224 = tpu.vector_load %arg8[%get3A_223] {strides = array<i32>} : memref<480xf32, #tpu.memory_space<vmem>>, vector<16xf32>,
      %mul3A_225 = arith.mulf %select_n3A_168, %convert_element_type3A_211 : vector<16xf32>
      %add3A_226 = arith.addf %get3A_224, %mul3A_225 : vector<16xf32>
      %swap3A_227 = arith.constant 352 : index
      %swap3A_228 = tpu.vector_load %arg8[%swap3A_227] {strides = array<i32>} : memref<480xf32, #tpu.memory_space<vmem>>, vector<16xf32>,
      tpu.vector_store %arg8[%swap3A_227], %add3A_226 {strides = array<i32>} : memref<480xf32, #tpu.memory_space<vmem>>, vector<16xf32>,
      %get3A_229 = arith.constant 80 : index
      %get3A_230 = tpu.vector_load %arg7[%get3A_229] {strides = array<i32>} : memref<224xi32, #tpu.memory_space<vmem>>, vector<16xi32>,
      %convert_element_type3A_231 = arith.sitofp %get3A_230 : vector<16xi32> to vector<16xf32>
      %get3A_232 = arith.constant 48 : index
      %get3A_233 = tpu.vector_load %arg8[%get3A_232] {strides = array<i32>} : memref<480xf32, #tpu.memory_space<vmem>>, vector<16xf32>,
      %add3A_234 = arith.addf %get3A_233, %convert_element_type3A_231 : vector<16xf32>
      %swap3A_235 = arith.constant 48 : index
      %swap3A_236 = tpu.vector_load %arg8[%swap3A_235] {strides = array<i32>} : memref<480xf32, #tpu.memory_space<vmem>>, vector<16xf32>,
      tpu.vector_store %arg8[%swap3A_235], %add3A_234 {strides = array<i32>} : memref<480xf32, #tpu.memory_space<vmem>>, vector<16xf32>,
      %get3A_237 = arith.constant 208 : index
      %get3A_238 = tpu.vector_load %arg8[%get3A_237] {strides = array<i32>} : memref<480xf32, #tpu.memory_space<vmem>>, vector<16xf32>,
      %mul3A_239 = arith.mulf %max3A_159, %convert_element_type3A_231 : vector<16xf32>
      %add3A_240 = arith.addf %get3A_238, %mul3A_239 : vector<16xf32>
      %swap3A_241 = arith.constant 208 : index
      %swap3A_242 = tpu.vector_load %arg8[%swap3A_241] {strides = array<i32>} : memref<480xf32, #tpu.memory_space<vmem>>, vector<16xf32>,
      tpu.vector_store %arg8[%swap3A_241], %add3A_240 {strides = array<i32>} : memref<480xf32, #tpu.memory_space<vmem>>, vector<16xf32>,
      %get3A_243 = arith.constant 368 : index
      %get3A_244 = tpu.vector_load %arg8[%get3A_243] {strides = array<i32>} : memref<480xf32, #tpu.memory_space<vmem>>, vector<16xf32>,
      %mul3A_245 = arith.mulf %select_n3A_168, %convert_element_type3A_231 : vector<16xf32>
      %add3A_246 = arith.addf %get3A_244, %mul3A_245 : vector<16xf32>
      %swap3A_247 = arith.constant 368 : index
      %swap3A_248 = tpu.vector_load %arg8[%swap3A_247] {strides = array<i32>} : memref<480xf32, #tpu.memory_space<vmem>>, vector<16xf32>,
      tpu.vector_store %arg8[%swap3A_247], %add3A_246 {strides = array<i32>} : memref<480xf32, #tpu.memory_space<vmem>>, vector<16xf32>,
      %get3A_249 = arith.constant 96 : index
      %get3A_250 = tpu.vector_load %arg7[%get3A_249] {strides = array<i32>} : memref<224xi32, #tpu.memory_space<vmem>>, vector<16xi32>,
      %convert_element_type3A_251 = arith.sitofp %get3A_250 : vector<16xi32> to vector<16xf32>
      %get3A_252 = arith.constant 64 : index
      %get3A_253 = tpu.vector_load %arg8[%get3A_252] {strides = array<i32>} : memref<480xf32, #tpu.memory_space<vmem>>, vector<16xf32>,
      %add3A_254 = arith.addf %get3A_253, %convert_element_type3A_251 : vector<16xf32>
      %swap3A_255 = arith.constant 64 : index
      %swap3A_256 = tpu.vector_load %arg8[%swap3A_255] {strides = array<i32>} : memref<480xf32, #tpu.memory_space<vmem>>, vector<16xf32>,
      tpu.vector_store %arg8[%swap3A_255], %add3A_254 {strides = array<i32>} : memref<480xf32, #tpu.memory_space<vmem>>, vector<16xf32>,
      %get3A_257 = arith.constant 224 : index
      %get3A_258 = tpu.vector_load %arg8[%get3A_257] {strides = array<i32>} : memref<480xf32, #tpu.memory_space<vmem>>, vector<16xf32>,
      %mul3A_259 = arith.mulf %max3A_159, %convert_element_type3A_251 : vector<16xf32>
      %add3A_260 = arith.addf %get3A_258, %mul3A_259 : vector<16xf32>
      %swap3A_261 = arith.constant 224 : index
      %swap3A_262 = tpu.vector_load %arg8[%swap3A_261] {strides = array<i32>} : memref<480xf32, #tpu.memory_space<vmem>>, vector<16xf32>,
      tpu.vector_store %arg8[%swap3A_261], %add3A_260 {strides = array<i32>} : memref<480xf32, #tpu.memory_space<vmem>>, vector<16xf32>,
      %get3A_263 = arith.constant 384 : index
      %get3A_264 = tpu.vector_load %arg8[%get3A_263] {strides = array<i32>} : memref<480xf32, #tpu.memory_space<vmem>>, vector<16xf32>,
      %mul3A_265 = arith.mulf %select_n3A_168, %convert_element_type3A_251 : vector<16xf32>
      %add3A_266 = arith.addf %get3A_264, %mul3A_265 : vector<16xf32>
      %swap3A_267 = arith.constant 384 : index
      %swap3A_268 = tpu.vector_load %arg8[%swap3A_267] {strides = array<i32>} : memref<480xf32, #tpu.memory_space<vmem>>, vector<16xf32>,
      tpu.vector_store %arg8[%swap3A_267], %add3A_266 {strides = array<i32>} : memref<480xf32, #tpu.memory_space<vmem>>, vector<16xf32>,
      %get3A_269 = arith.constant 112 : index
      %get3A_270 = tpu.vector_load %arg7[%get3A_269] {strides = array<i32>} : memref<224xi32, #tpu.memory_space<vmem>>, vector<16xi32>,
      %convert_element_type3A_271 = arith.sitofp %get3A_270 : vector<16xi32> to vector<16xf32>
      %get3A_272 = arith.constant 80 : index
      %get3A_273 = tpu.vector_load %arg8[%get3A_272] {strides = array<i32>} : memref<480xf32, #tpu.memory_space<vmem>>, vector<16xf32>,
      %add3A_274 = arith.addf %get3A_273, %convert_element_type3A_271 : vector<16xf32>
      %swap3A_275 = arith.constant 80 : index
      %swap3A_276 = tpu.vector_load %arg8[%swap3A_275] {strides = array<i32>} : memref<480xf32, #tpu.memory_space<vmem>>, vector<16xf32>,
      tpu.vector_store %arg8[%swap3A_275], %add3A_274 {strides = array<i32>} : memref<480xf32, #tpu.memory_space<vmem>>, vector<16xf32>,
      %get3A_277 = arith.constant 240 : index
      %get3A_278 = tpu.vector_load %arg8[%get3A_277] {strides = array<i32>} : memref<480xf32, #tpu.memory_space<vmem>>, vector<16xf32>,
      %mul3A_279 = arith.mulf %max3A_159, %convert_element_type3A_271 : vector<16xf32>
      %add3A_280 = arith.addf %get3A_278, %mul3A_279 : vector<16xf32>
      %swap3A_281 = arith.constant 240 : index
      %swap3A_282 = tpu.vector_load %arg8[%swap3A_281] {strides = array<i32>} : memref<480xf32, #tpu.memory_space<vmem>>, vector<16xf32>,
      tpu.vector_store %arg8[%swap3A_281], %add3A_280 {strides = array<i32>} : memref<480xf32, #tpu.memory_space<vmem>>, vector<16xf32>,
      %get3A_283 = arith.constant 400 : index
      %get3A_284 = tpu.vector_load %arg8[%get3A_283] {strides = array<i32>} : memref<480xf32, #tpu.memory_space<vmem>>, vector<16xf32>,
      %mul3A_285 = arith.mulf %select_n3A_168, %convert_element_type3A_271 : vector<16xf32>
      %add3A_286 = arith.addf %get3A_284, %mul3A_285 : vector<16xf32>
      %swap3A_287 = arith.constant 400 : index
      %swap3A_288 = tpu.vector_load %arg8[%swap3A_287] {strides = array<i32>} : memref<480xf32, #tpu.memory_space<vmem>>, vector<16xf32>,
      tpu.vector_store %arg8[%swap3A_287], %add3A_286 {strides = array<i32>} : memref<480xf32, #tpu.memory_space<vmem>>, vector<16xf32>,
      %get3A_289 = arith.constant 128 : index
      %get3A_290 = tpu.vector_load %arg7[%get3A_289] {strides = array<i32>} : memref<224xi32, #tpu.memory_space<vmem>>, vector<16xi32>,
      %convert_element_type3A_291 = arith.sitofp %get3A_290 : vector<16xi32> to vector<16xf32>
      %get3A_292 = arith.constant 96 : index
      %get3A_293 = tpu.vector_load %arg8[%get3A_292] {strides = array<i32>} : memref<480xf32, #tpu.memory_space<vmem>>, vector<16xf32>,
      %add3A_294 = arith.addf %get3A_293, %convert_element_type3A_291 : vector<16xf32>
      %swap3A_295 = arith.constant 96 : index
      %swap3A_296 = tpu.vector_load %arg8[%swap3A_295] {strides = array<i32>} : memref<480xf32, #tpu.memory_space<vmem>>, vector<16xf32>,
      tpu.vector_store %arg8[%swap3A_295], %add3A_294 {strides = array<i32>} : memref<480xf32, #tpu.memory_space<vmem>>, vector<16xf32>,
      %get3A_297 = arith.constant 256 : index
      %get3A_298 = tpu.vector_load %arg8[%get3A_297] {strides = array<i32>} : memref<480xf32, #tpu.memory_space<vmem>>, vector<16xf32>,
      %mul3A_299 = arith.mulf %max3A_159, %convert_element_type3A_291 : vector<16xf32>
      %add3A_300 = arith.addf %get3A_298, %mul3A_299 : vector<16xf32>
      %swap3A_301 = arith.constant 256 : index
      %swap3A_302 = tpu.vector_load %arg8[%swap3A_301] {strides = array<i32>} : memref<480xf32, #tpu.memory_space<vmem>>, vector<16xf32>,
      tpu.vector_store %arg8[%swap3A_301], %add3A_300 {strides = array<i32>} : memref<480xf32, #tpu.memory_space<vmem>>, vector<16xf32>,
      %get3A_303 = arith.constant 416 : index
      %get3A_304 = tpu.vector_load %arg8[%get3A_303] {strides = array<i32>} : memref<480xf32, #tpu.memory_space<vmem>>, vector<16xf32>,
      %mul3A_305 = arith.mulf %select_n3A_168, %convert_element_type3A_291 : vector<16xf32>
      %add3A_306 = arith.addf %get3A_304, %mul3A_305 : vector<16xf32>
      %swap3A_307 = arith.constant 416 : index
      %swap3A_308 = tpu.vector_load %arg8[%swap3A_307] {strides = array<i32>} : memref<480xf32, #tpu.memory_space<vmem>>, vector<16xf32>,
      tpu.vector_store %arg8[%swap3A_307], %add3A_306 {strides = array<i32>} : memref<480xf32, #tpu.memory_space<vmem>>, vector<16xf32>,
      %get3A_309 = arith.constant 144 : index
      %get3A_310 = tpu.vector_load %arg7[%get3A_309] {strides = array<i32>} : memref<224xi32, #tpu.memory_space<vmem>>, vector<16xi32>,
      %convert_element_type3A_311 = arith.sitofp %get3A_310 : vector<16xi32> to vector<16xf32>
      %get3A_312 = arith.constant 112 : index
      %get3A_313 = tpu.vector_load %arg8[%get3A_312] {strides = array<i32>} : memref<480xf32, #tpu.memory_space<vmem>>, vector<16xf32>,
      %add3A_314 = arith.addf %get3A_313, %convert_element_type3A_311 : vector<16xf32>
      %swap3A_315 = arith.constant 112 : index
      %swap3A_316 = tpu.vector_load %arg8[%swap3A_315] {strides = array<i32>} : memref<480xf32, #tpu.memory_space<vmem>>, vector<16xf32>,
      tpu.vector_store %arg8[%swap3A_315], %add3A_314 {strides = array<i32>} : memref<480xf32, #tpu.memory_space<vmem>>, vector<16xf32>,
      %get3A_317 = arith.constant 272 : index
      %get3A_318 = tpu.vector_load %arg8[%get3A_317] {strides = array<i32>} : memref<480xf32, #tpu.memory_space<vmem>>, vector<16xf32>,
      %mul3A_319 = arith.mulf %max3A_159, %convert_element_type3A_311 : vector<16xf32>
      %add3A_320 = arith.addf %get3A_318, %mul3A_319 : vector<16xf32>
      %swap3A_321 = arith.constant 272 : index
      %swap3A_322 = tpu.vector_load %arg8[%swap3A_321] {strides = array<i32>} : memref<480xf32, #tpu.memory_space<vmem>>, vector<16xf32>,
      tpu.vector_store %arg8[%swap3A_321], %add3A_320 {strides = array<i32>} : memref<480xf32, #tpu.memory_space<vmem>>, vector<16xf32>,
      %get3A_323 = arith.constant 432 : index
      %get3A_324 = tpu.vector_load %arg8[%get3A_323] {strides = array<i32>} : memref<480xf32, #tpu.memory_space<vmem>>, vector<16xf32>,
      %mul3A_325 = arith.mulf %select_n3A_168, %convert_element_type3A_311 : vector<16xf32>
      %add3A_326 = arith.addf %get3A_324, %mul3A_325 : vector<16xf32>
      %swap3A_327 = arith.constant 432 : index
      %swap3A_328 = tpu.vector_load %arg8[%swap3A_327] {strides = array<i32>} : memref<480xf32, #tpu.memory_space<vmem>>, vector<16xf32>,
      tpu.vector_store %arg8[%swap3A_327], %add3A_326 {strides = array<i32>} : memref<480xf32, #tpu.memory_space<vmem>>, vector<16xf32>,
      %get3A_329 = arith.constant 160 : index
      %get3A_330 = tpu.vector_load %arg7[%get3A_329] {strides = array<i32>} : memref<224xi32, #tpu.memory_space<vmem>>, vector<16xi32>,
      %convert_element_type3A_331 = arith.sitofp %get3A_330 : vector<16xi32> to vector<16xf32>
      %get3A_332 = arith.constant 128 : index
      %get3A_333 = tpu.vector_load %arg8[%get3A_332] {strides = array<i32>} : memref<480xf32, #tpu.memory_space<vmem>>, vector<16xf32>,
      %add3A_334 = arith.addf %get3A_333, %convert_element_type3A_331 : vector<16xf32>
      %swap3A_335 = arith.constant 128 : index
      %swap3A_336 = tpu.vector_load %arg8[%swap3A_335] {strides = array<i32>} : memref<480xf32, #tpu.memory_space<vmem>>, vector<16xf32>,
      tpu.vector_store %arg8[%swap3A_335], %add3A_334 {strides = array<i32>} : memref<480xf32, #tpu.memory_space<vmem>>, vector<16xf32>,
      %get3A_337 = arith.constant 288 : index
      %get3A_338 = tpu.vector_load %arg8[%get3A_337] {strides = array<i32>} : memref<480xf32, #tpu.memory_space<vmem>>, vector<16xf32>,
      %mul3A_339 = arith.mulf %max3A_159, %convert_element_type3A_331 : vector<16xf32>
      %add3A_340 = arith.addf %get3A_338, %mul3A_339 : vector<16xf32>
      %swap3A_341 = arith.constant 288 : index
      %swap3A_342 = tpu.vector_load %arg8[%swap3A_341] {strides = array<i32>} : memref<480xf32, #tpu.memory_space<vmem>>, vector<16xf32>,
      tpu.vector_store %arg8[%swap3A_341], %add3A_340 {strides = array<i32>} : memref<480xf32, #tpu.memory_space<vmem>>, vector<16xf32>,
      %get3A_343 = arith.constant 448 : index
      %get3A_344 = tpu.vector_load %arg8[%get3A_343] {strides = array<i32>} : memref<480xf32, #tpu.memory_space<vmem>>, vector<16xf32>,
      %mul3A_345 = arith.mulf %select_n3A_168, %convert_element_type3A_331 : vector<16xf32>
      %add3A_346 = arith.addf %get3A_344, %mul3A_345 : vector<16xf32>
      %swap3A_347 = arith.constant 448 : index
      %swap3A_348 = tpu.vector_load %arg8[%swap3A_347] {strides = array<i32>} : memref<480xf32, #tpu.memory_space<vmem>>, vector<16xf32>,
      tpu.vector_store %arg8[%swap3A_347], %add3A_346 {strides = array<i32>} : memref<480xf32, #tpu.memory_space<vmem>>, vector<16xf32>,
      %get3A_349 = arith.constant 176 : index
      %get3A_350 = tpu.vector_load %arg7[%get3A_349] {strides = array<i32>} : memref<224xi32, #tpu.memory_space<vmem>>, vector<16xi32>,
      %convert_element_type3A_351 = arith.sitofp %get3A_350 : vector<16xi32> to vector<16xf32>
      %get3A_352 = arith.constant 144 : index
      %get3A_353 = tpu.vector_load %arg8[%get3A_352] {strides = array<i32>} : memref<480xf32, #tpu.memory_space<vmem>>, vector<16xf32>,
      %add3A_354 = arith.addf %get3A_353, %convert_element_type3A_351 : vector<16xf32>
      %swap3A_355 = arith.constant 144 : index
      %swap3A_356 = tpu.vector_load %arg8[%swap3A_355] {strides = array<i32>} : memref<480xf32, #tpu.memory_space<vmem>>, vector<16xf32>,
      tpu.vector_store %arg8[%swap3A_355], %add3A_354 {strides = array<i32>} : memref<480xf32, #tpu.memory_space<vmem>>, vector<16xf32>,
      %get3A_357 = arith.constant 304 : index
      %get3A_358 = tpu.vector_load %arg8[%get3A_357] {strides = array<i32>} : memref<480xf32, #tpu.memory_space<vmem>>, vector<16xf32>,
      %mul3A_359 = arith.mulf %max3A_159, %convert_element_type3A_351 : vector<16xf32>
      %add3A_360 = arith.addf %get3A_358, %mul3A_359 : vector<16xf32>
      %swap3A_361 = arith.constant 304 : index
      %swap3A_362 = tpu.vector_load %arg8[%swap3A_361] {strides = array<i32>} : memref<480xf32, #tpu.memory_space<vmem>>, vector<16xf32>,
      tpu.vector_store %arg8[%swap3A_361], %add3A_360 {strides = array<i32>} : memref<480xf32, #tpu.memory_space<vmem>>, vector<16xf32>,
      %get3A_363 = arith.constant 464 : index
      %get3A_364 = tpu.vector_load %arg8[%get3A_363] {strides = array<i32>} : memref<480xf32, #tpu.memory_space<vmem>>, vector<16xf32>,
      %mul3A_365 = arith.mulf %select_n3A_168, %convert_element_type3A_351 : vector<16xf32>
      %add3A_366 = arith.addf %get3A_364, %mul3A_365 : vector<16xf32>
      %swap3A_367 = arith.constant 464 : index
      %swap3A_368 = tpu.vector_load %arg8[%swap3A_367] {strides = array<i32>} : memref<480xf32, #tpu.memory_space<vmem>>, vector<16xf32>,
      tpu.vector_store %arg8[%swap3A_367], %add3A_366 {strides = array<i32>} : memref<480xf32, #tpu.memory_space<vmem>>, vector<16xf32>,
      %scan3A_369 = arith.constant 0 : i32
      scf.yield %scan3A_369 : i32
    }
    %scan3A_91 = arith.constant 32 : i32
    "tpu.region"() ({
      %run_scoped3A = tpu.sem_alloc : memref<!tpu.dma_semaphore, #tpu.memory_space<semaphore_mem>>
      %dma_start3A_92 = arith.constant 0 : i32
      %dma_start3A_93 = tpu.memref_slice %arg4[%add3A, %dma_start3A_92] : memref<32x480xf32, #tpu.memory_space<hbm>> -> memref<1x480xf32, #tpu.memory_space<hbm>>
      %dma_start3A_94 = tpu.memref_squeeze %dma_start3A_93 : memref<1x480xf32, #tpu.memory_space<hbm>> -> memref<480xf32, #tpu.memory_space<hbm>>
      %dma_start3A_95 = arith.constant 0 : i32
      %dma_start3A_96 = tpu.memref_slice %arg4[%add3A, %dma_start3A_95] : memref<32x480xf32, #tpu.memory_space<hbm>> -> memref<1x480xf32, #tpu.memory_space<hbm>>
      %dma_start3A_97 = tpu.memref_squeeze %dma_start3A_96 : memref<1x480xf32, #tpu.memory_space<hbm>> -> memref<480xf32, #tpu.memory_space<hbm>>
      tpu.enqueue_dma source(%arg8 : memref<480xf32, #tpu.memory_space<vmem>>) target(%dma_start3A_97 : memref<480xf32, #tpu.memory_space<hbm>>) target_semaphore(%run_scoped3A : memref<!tpu.dma_semaphore, #tpu.memory_space<semaphore_mem>>)
      %dma_wait3A = arith.constant 0 : i32
      %dma_wait3A_98 = tpu.memref_slice %arg4[%add3A, %dma_wait3A] : memref<32x480xf32, #tpu.memory_space<hbm>> -> memref<1x480xf32, #tpu.memory_space<hbm>>
      %dma_wait3A_99 = tpu.memref_squeeze %dma_wait3A_98 : memref<1x480xf32, #tpu.memory_space<hbm>> -> memref<480xf32, #tpu.memory_space<hbm>>
      %dma_wait3A_100 = arith.constant 0 : i32
      %dma_wait3A_101 = tpu.memref_slice %arg4[%add3A, %dma_wait3A_100] : memref<32x480xf32, #tpu.memory_space<hbm>> -> memref<1x480xf32, #tpu.memory_space<hbm>>
      %dma_wait3A_102 = tpu.memref_squeeze %dma_wait3A_101 : memref<1x480xf32, #tpu.memory_space<hbm>> -> memref<480xf32, #tpu.memory_space<hbm>>
      tpu.wait_dma2 semaphore(%run_scoped3A : memref<!tpu.dma_semaphore, #tpu.memory_space<semaphore_mem>>) src(%arg8 : memref<480xf32, #tpu.memory_space<vmem>>) dst(%dma_wait3A_102 : memref<480xf32, #tpu.memory_space<hbm>>)
      tpu.yield
    }) : () -> ()
    return
  }
}

module attributes {stable_mosaic.version = 14 : i64} {
  func.func @body(%arg0: memref<30x512xf32, #tpu.memory_space<vmem>>, %arg1: memref<1x1xf32, #tpu.memory_space<smem>>) attributes {dimension_semantics = [], scalar_prefetch = 0 : i64, scratch_operands = 0 : i64, tpu.core_type = #tpu.core_type<tc>} {
    %get3A = arith.constant 0 : index
    %get3A_0 = arith.constant 0 : index
    %get3A_1 = vector.load %arg0[%get3A, %get3A_0] : memref<30x512xf32, #tpu.memory_space<vmem>>, vector<30x512xf32>
    %reduce_sum3A = arith.constant dense<0.000000e+00> : vector<30xf32>
    %reduce_sum3A_2 = vector.multi_reduction <add>, %get3A_1, %reduce_sum3A [1] : vector<30x512xf32> to vector<30xf32>
    %broadcast_in_dim3A = vector.shape_cast %reduce_sum3A_2 : vector<30xf32> to vector<30x1xf32>
    %slice3A = vector.extract_strided_slice %broadcast_in_dim3A {offsets = [0, 0], sizes = [10, 1], strides = [1, 1]} : vector<30x1xf32> to vector<10x1xf32>
    %slice3A_3 = vector.extract_strided_slice %broadcast_in_dim3A {offsets = [10, 0], sizes = [10, 1], strides = [1, 1]} : vector<30x1xf32> to vector<10x1xf32>
    %slice3A_4 = vector.extract_strided_slice %broadcast_in_dim3A {offsets = [20, 0], sizes = [10, 1], strides = [1, 1]} : vector<30x1xf32> to vector<10x1xf32>
    %max3A = arith.constant 1.000000e+00 : f32
    %max3A_5 = vector.broadcast %max3A : f32 to vector<10x1xf32>
    %max3A_6 = arith.maximumf %slice3A, %max3A_5 : vector<10x1xf32>
    %div3A = arith.constant 1.638400e+07 : f32
    %div3A_7 = vector.broadcast %div3A : f32 to vector<10x1xf32>
    %div3A_8 = arith.divf %slice3A, %div3A_7 : vector<10x1xf32>
    %gt3A = arith.constant 0.000000e+00 : f32
    %gt3A_9 = vector.broadcast %gt3A : f32 to vector<10x1xf32>
    %gt3A_10 = arith.cmpf ogt, %slice3A, %gt3A_9 : vector<10x1xf32>
    %div3A_11 = arith.divf %slice3A_3, %max3A_6 : vector<10x1xf32>
    %div3A_12 = arith.divf %slice3A_4, %max3A_6 : vector<10x1xf32>
    %sub3A = arith.subf %div3A_11, %div3A_12 : vector<10x1xf32>
    %abs3A = math.absf %sub3A : vector<10x1xf32>
    %mul3A = arith.mulf %abs3A, %div3A_8 : vector<10x1xf32>
    %jit3A = arith.constant 0.000000e+00 : f32
    %broadcast_in_dim3A_13 = vector.broadcast %jit3A : f32 to vector<10x1xf32>
    %select_n3A = arith.select %gt3A_10, %mul3A, %broadcast_in_dim3A_13 : vector<10x1xi1>, vector<10x1xf32>
    %reduce_sum3A_14 = vector.shape_cast %select_n3A : vector<10x1xf32> to vector<1x10x1xf32>
    %reduce_sum3A_15 = arith.constant dense<0.000000e+00> : vector<1xf32>
    %reduce_sum3A_16 = vector.multi_reduction <add>, %reduce_sum3A_14, %reduce_sum3A_15 [1, 2] : vector<1x10x1xf32> to vector<1xf32>
    %reduce_sum3A_17 = vector.shape_cast %reduce_sum3A_16 : vector<1xf32> to vector<1x1x1xf32>
    %reduce_sum3A_18 = vector.extract %reduce_sum3A_17[0, 0, 0] : f32 from vector<1x1x1xf32>
    %swap3A = arith.constant 0 : index
    %swap3A_19 = arith.constant 0 : index
    %swap3A_20 = memref.load %arg1[%swap3A, %swap3A_19] : memref<1x1xf32, #tpu.memory_space<smem>>
    memref.store %reduce_sum3A_18, %arg1[%swap3A, %swap3A_19] : memref<1x1xf32, #tpu.memory_space<smem>>
    return
  }
}

</mosaic_0001>

<sc_bundles>
// kernel: kernel.4.cloned.1.call-start
scs
__scs_entry_jumppad:
0x0: {  	(pc) =	sbr.rel $0x88, $3  }
0x1: {  	(tag) =	ssettag $0x0;
	lr =	simm.s32 $0x1  }
0x2: {  	[smem:$0x3F9F] =	sst lr;
	_ =	strace $0xD0000000  }
0x3: {  	_ = 	snop  }
0x4: {  	_ = 	snop  }
0x5: {  	_ = 	snop  }
0x6: {  	_ = 	snop  }
0x7: {  	_ = 	snop  }
__scs_overlays_trampoline_lowered:
0x8: {  	[smem:$0x3FAE] =	sst s0  }
0x9: {  	[smem:$0x3FAF] =	sst s1  }
0xa: {  	[smem:$0x3FB0] =	sst s2  }
0xb: {  	[smem:$0x3FB1] =	sst s3  }
0xc: {  	[smem:$0x3FB2] =	sst s4  }
0xd: {  	[smem:$0x3FB3] =	sst s5  }
0xe: {  	[smem:$0x3FB4] =	sst s6  }
0xf: {  	[smem:$0x3FB5] =	sst s7  }
0x10: {  	[smem:$0x3FB6] =	sst s8  }
0x11: {  	[smem:$0x3FB7] =	sst s9;
	s0 =	simm.s32 @!p0 $0x0  }
0x12: {  	s1 =	sld [smem:$0x3F9D];
	s0 =	simm.s32 @p0 $0x1  }
0x13: {  	[smem:$0x3FB8] =	sst s0;
	s0 =	simm.s32 @!p1 $0x0  }
0x14: {  	s2 =	sld [smem:$0x3F9C];
	s0 =	simm.s32 @p1 $0x1  }
0x15: {  	[smem:$0x3FB9] =	sst s0;
	s0 =	simm.s32 @!p2 $0x0  }
0x16: {  	s3 =	sld [smem:$0x3FDB];
	s0 =	simm.s32 @p2 $0x1  }
0x17: {  	s4 =	simm.s32 $0x1BF5;
	[smem:$0x3FBB] =	sst s0  }
0x18: {  	s0 =	sld [smem:$0x3F9E];
	_ =	swait.ge [sflag:s4], $0x0  }
0x19: {  	s7 =	sld [smem:$0x3F9F]  }
0x1a: {  	s8 =	sadd.s32 $0xFFFFE003, lr  }
0x1b: {  	s9 =	sadd.s32 $0xFFFFFEF7, lr;
	s5 =	simm.s32 $0xFFFFFFFF;
	p2 =	slt.u32 s8, $0xFFFFF086  }
0x1c: {  	p1 =	slt.u32 s9, $0xF7A;
	s5 =	simm.s32 @!p2 $0x0  }
0x1d: {  	s5 =	simm.s32 @p1 $0x1;
	p0 =	seq.s32 s7, s2  }
0x1e: {  	s7 =	smul.u32 @!p0 $0xF7A, s2;
	p2 =	seq.s32 @!p0 s5, $0x0  }
0x1f: {  	s9 =	smul.u32 $0xF7A, s1;
	s8 =	simm.s32 @!p0 $0x1BF5;
	p2 =	por !p2, p0  }
0x20: {  	[sflag:s8] =	ssyncset.s32 @!p0 $0xFFFFF086;
	s6 =	sadd.s32 @!p0 s3, s7;
	s7 =	simm.s32 @!p0 $0x108  }
0x21: {  	s3 =	sadd.s32 s3, s9;
	s6 =	sadd.s32 @!p0 $0x88, s6;
	s7 =	simm.s32 @p2 $0x1082  }
0x22: {  	[simem:s7], [sflag:s8] =	dma.local @!p0 [hbm:s6], $0xF7A  }
0x23: {  	s9 =	sor.u32 $0xD0000000, s2;
	s6 =	simm.s32 $0x108;
	_ =	swait.ge @!p0 [sflag:s8], $0x0  }
0x24: {  	s3 =	sadd.s32 $0x88, s3;
	s6 =	simm.s32 @!p1 $0x1082;
	[sflag:s4] =	ssyncset.s32 $0xFFFFF086  }
0x25: {  	[simem:s6], [sflag:s4] =	dma.local [hbm:s3], $0xF7A  }
0x26: {  	[smem:$0x3F9F] =	sst s1;
	(tag) =	ssettag s2;
	_ =	strace s9  }
0x27: {  	s1 =	sld [smem:$0x3FAF]  }
0x28: {  	s2 =	sld [smem:$0x3FB0]  }
0x29: {  	s4 =	sld [smem:$0x3FB2]  }
0x2a: {  	p0 =	seq.s32 s5, $0x0;
	s5 =	sld [smem:$0x3FB3]  }
0x2b: {  	s6 =	sld [smem:$0x3FB4]  }
0x2c: {  	s7 =	sld [smem:$0x3FB5]  }
0x2d: {  	s3 =	simm.s32 $0x108;
	s8 =	sld [smem:$0x3FB6]  }
0x2e: {  	s3 =	simm.s32 @!p0 $0x1082;
	s9 =	sld [smem:$0x3FB7]  }
0x2f: {  	lr =	sadd.s32 s0, s3;
	s0 =	sld [smem:$0x3FAE]  }
0x30: {  	s3 =	sld [smem:$0x3FB1]  }
0x31: {  	[smem:$0x3FBA] =	sst s10  }
0x32: {  	s10 =	sld [smem:$0x3FB8];
	_ =	sdelay $0x3  }
0x33: {  	p0 =	seq.s32 s10, $0x1;
	s10 =	sld [smem:$0x3FBA];
	_ =	sdelay $0x3  }
0x34: {  	[smem:$0x3FBA] =	sst s10  }
0x35: {  	s10 =	sld [smem:$0x3FB9];
	_ =	sdelay $0x3  }
0x36: {  	p1 =	seq.s32 s10, $0x1;
	s10 =	sld [smem:$0x3FBA];
	_ =	sdelay $0x3  }
0x37: {  	[smem:$0x3FBA] =	sst s10  }
0x38: {  	s10 =	sld [smem:$0x3FBB]  }
0x39: {  	_ = 	snop;
	(pc) =	sbr.ind lr, $3  }
0x3a: {  	_ = 	snop  }
0x3b: {  	_ = 	snop  }
0x3c: {  	p2 =	seq.s32 s10, $0x1;
	s10 =	sld [smem:$0x3FBA]  }
0x3d: {  	_ =	shalt  }
0x3e: {  	_ =	shalt  }
0x3f: {  	_ =	shalt  }
0x40: {  	_ =	shalt  }
0x41: {  	_ =	shalt  }
0x42: {  	_ =	shalt  }
0x43: {  	_ =	shalt  }
0x44: {  	_ =	shalt  }
0x45: {  	_ =	shalt  }
0x46: {  	_ =	shalt  }
0x47: {  	_ =	shalt  }
0x48: {  	_ =	shalt  }
0x49: {  	_ =	shalt  }
0x4a: {  	_ =	shalt  }
0x4b: {  	_ =	shalt  }
0x4c: {  	_ =	shalt  }
0x4d: {  	_ =	shalt  }
0x4e: {  	_ =	shalt  }
0x4f: {  	_ =	shalt  }
0x50: {  	_ =	shalt  }
0x51: {  	_ =	shalt  }
0x52: {  	_ =	shalt  }
0x53: {  	_ =	shalt  }
0x54: {  	_ =	shalt  }
0x55: {  	_ =	shalt  }
0x56: {  	_ =	shalt  }
0x57: {  	_ =	shalt  }
0x58: {  	_ =	shalt  }
0x59: {  	_ =	shalt  }
0x5a: {  	_ =	shalt  }
0x5b: {  	_ =	shalt  }
0x5c: {  	_ =	shalt  }
0x5d: {  	_ =	shalt  }
0x5e: {  	_ =	shalt  }
0x5f: {  	_ =	shalt  }
0x60: {  	_ =	shalt  }
0x61: {  	_ =	shalt  }
0x62: {  	_ =	shalt  }
0x63: {  	_ =	shalt  }
0x64: {  	_ =	shalt  }
0x65: {  	_ =	shalt  }
0x66: {  	_ =	shalt  }
0x67: {  	_ =	shalt  }
0x68: {  	_ =	shalt  }
0x69: {  	_ =	shalt  }
0x6a: {  	_ =	shalt  }
0x6b: {  	_ =	shalt  }
0x6c: {  	_ =	shalt  }
0x6d: {  	_ =	shalt  }
0x6e: {  	_ =	shalt  }
0x6f: {  	_ =	shalt  }
0x70: {  	_ =	shalt  }
0x71: {  	_ =	shalt  }
0x72: {  	_ =	shalt  }
0x73: {  	_ =	shalt  }
0x74: {  	_ =	shalt  }
0x75: {  	_ =	shalt  }
0x76: {  	_ =	shalt  }
0x77: {  	_ =	shalt  }
0x78: {  	_ =	shalt  }
0x79: {  	_ =	shalt  }
0x7a: {  	_ =	shalt  }
0x7b: {  	_ =	shalt  }
0x7c: {  	_ =	shalt  }
0x7d: {  	_ =	shalt  }
0x7e: {  	_ =	shalt  }
0x7f: {  	_ =	shalt  }
0x80: {  	_ =	shalt  }
0x81: {  	_ =	shalt  }
0x82: {  	_ =	shalt  }
0x83: {  	_ =	shalt  }
0x84: {  	_ =	shalt  }
0x85: {  	_ =	shalt  }
0x86: {  	_ =	shalt  }
0x87: {  	_ =	shalt  }
.Lfunc_end0:
.L_simem_size_0:
called_computation_lowered:
.L_overlay_start_0:
0x88: {  	s2 =	sld [smem:$0x3FD9]  }
0x89: {  	s3 =	sld [smem:$0x3FFE];
	_ =	sdelay $0x1  }
0x8a: {  	s1 =	srdreg.scid  }
0x8b: {  	s0 =	sand.u32 $0x1, s1  }
0x8c: {  	s17 =	sshll.u32 s0, $0xA;
	s2 =	sadd.s32 s3, s2  }
0x8d: {  	s2 =	sadd.s32 s2, s17  }
0x8e: {  	[smem:$0x3FC6] =	sst s2  }
0x8f: {  	_ = 	snop  }
0x90: {  	s2 =	sld [smem:$0x3FC8];
	(tm) =	ssettm $0x1  }
0x91: {  	s18 =	sld [smem:$0x3FFB];
	_ =	sdelay $0x3  }
0x92: {  	_ =	strace s18  }
0x93: {  	s3 =	sld [smem:$0x3FFC];
	_ =	sdelay $0x3  }
0x94: {  	_ =	strace s3  }
0x95: {  	s3 =	sld [smem:$0x3FFD];
	_ =	sdelay $0x3  }
0x96: {  	_ =	strace s3  }
0x97: {  	_ =	strace $0x8FFFFFFF  }
0x98: {  	s19 =	sld [smem:$0x3FDB];
	_ =	sdelay $0x1  }
0x99: {  	s4 =	simm.s32 $_scs_section_size  }
0x9a: {  	s5 =	simm.s32 $_size__tile_overlayer_lowered;
	s6 =	simm.s32 $_tile_overlayer_lowered  }
0x9b: {  	s22 =	simm.s32 $0x1BFF;
	s21 =	sshll.u32 s6, $0x1;
	s3 =	sadd.s32 s4, s19  }
0x9c: {  	s7 =	simm.s32 $0x0;
	s20 =	sshll.u32 s5, $0x1;
	s5 =	sadd.s32 s21, s3  }
0x9d: {  	[timem:s7], [sflag:s22] =	dma.local [hbm:s5], s20  }
0x9e: {  	_ =	swait.ge [sflag:s22], s20  }
0x9f: {  	s4 =	ssub.s32 $0x0, s20;
	[sflag:s22] =	ssyncset.done $0x0  }
0xa0: {  	[sflag:s22] =	ssyncadd.s32 s4;
	_ =	sdelay $0x1  }
0xa1: {  	s23 =	simm.s32 $0x1B8B  }
0xa2: {  	_ =	swait.ge [sflag:s23], $0x1  }
0xa3: {  	[sflag:s23] =	ssyncset.done $0x0  }
0xa4: {  	s25 =	simm.s32 $0x1B8E;
	s24 =	sld [smem:$0x3FFE];
	[sflag:s23] =	ssyncadd.s32 $0xFFFFFFFF  }
0xa5: {  	s26 =	simm.s32 $execute0_lowered;
	[smem:$0x3FD2] =	sst s25  }
0xa6: {  	s5 =	sshll.u32 s26, $0x1;
	_ =	strace $0x80000046;
	[dreg:$0x1] =	wrdreg $0xFFFFFFFF  }
0xa7: {  	s28 =	simm.s32 $_size_execute0_lowered;
	s3 =	sadd.s32 s3, s5;
	[dreg:$0x0] =	wrdreg $0x0  }
0xa8: {  	s5 =	sshll.u32 s28, $0x1;
	[dreg:$0x2] =	wrdreg s3  }
0xa9: {  	[dreg:$0x3] =	wrdreg s5  }
0xaa: {  	[dreg:$0x4] =	wrdreg $0xC0  }
0xab: {  	_ =	task [dreg:s7], $0x5FFFF  }
0xac: {  	[dreg:$0x1] =	wrdreg $0xFFFFFFFF  }
0xad: {  	[dreg:$0x0] =	wrdreg $0x60  }
0xae: {  	[dreg:$0x2] =	wrdreg s24  }
0xaf: {  	[dreg:$0x3] =	wrdreg s2  }
0xb0: {  	[dreg:$0x4] =	wrdreg $0x9  }
0xb1: {  	_ =	task.clear_ibuf [dreg:s7], $0x5FFFF;
	_ =	strace $0x90000046  }
0xb2: {  	s29 =	simm.s32 $0x9;
	_ =	strace $0x80000048  }
0xb3: {  	_ =	swait.ge [sflag:s29], $0x1  }
0xb4: {  	[sflag:s29] =	ssyncadd.s32 $0xFFFFFFFF  }
0xb5: {  	_ =	strace $0x90000048  }
0xb6: {  	_ =	sfence  }
0xb7: {  	s30 =	sld [smem:$0x0];
	_ =	sdelay $0x2  }
0xb8: {  	s31 =	sshll.u32 s1, $0xD;
	s1 =	sshrl.u32 s1, $0x2  }
0xb9: {  	s3 =	sand.u32 $0x4000, s31;
	s1 =	sadd.s32 s1, s30  }
0xba: {  	s0 =	sor.u32 s3, s0;
	s1 =	sshll.u32 s1, $0x11  }
0xbb: {  	s0 =	sor.u32 s1, s0  }
0xbc: {  	s0 =	sadd.s32 $0x8F2B, s0  }
0xbd: {  	[sflag:s0] =	ssyncadd.remote.s32 $0x1  }
0xbe: {  	_ =	sfence.sel $0xFFFF  }
0xbf: {  	[dreg:$0x0] =	wrdreg $0xFFFFFFFF;
	(pc) =	sbr.abs _section_cstart, $3  }
0xc0: {  	[dreg:$0x1] =	wrdreg $0xFFFFFFFF  }
0xc1: {  	_ =	task.clear_ibuf [dreg:s7], $0x2FFFF;
	_ =	strace $0x9FFFFFFF  }
0xc2: {  	(tm) =	ssettm $0x7FFFFFFF  }
0xc3: {  	_ =	shalt  }
tec
execute0_lowered:
.L_overlay_start_1:
0x0: {  	(tag) =	ssettag $0x1  }
0x1: {  	s5 =	rddreg [dreg:$0x0];
	s1 =	srdreg.scid  }
0x2: {  	s0 =	stileid.u32;
	s6 =	rddreg [dreg:$0x1];
	s12 =	simm.s32 $0x80  }
0x3: {  	s13 =	simm.s32 $0x400;
	s14 =	simm.s32 $0x8000;
	s15 =	simm.s32 $0x0  }
0x4: {  	s7 =	sand.u32 $0x1, s1;
	s2 =	sshll.u32 s0, $0x1;
	s1 =	rddreg [dreg:$0x2]  }
0x5: {  	s8 =	sor.u32 s7, s2;
	s2 =	simm.s32 $0x0;
	s7 =	ssub.s32 $0x2, s7  }
0x6: {  	s3 =	sshll.u32 s8, $0x9;
	s4 =	sshll.u32 s8, $0x7;
	[smem:$0x7FF] =	sst s2  }
0x7: {  	s30 =	smul.u32 $0xFA00, s8;
	s9 =	sand.u32 $0x3000, s3;
	s10 =	sand.u32 $0x380, s4  }
0x8: {  	s31 =	sshrl.u32 s7, $0x1;
	s8 =	sshll.u32 s8, $0x6;
	s9 =	sor.u32 s10, s9  }
0x9: {  	_ =	strace $0x80000047;
	s4 =	sadd.s32 $0x200400, s5;
	s9 =	sshrl.u32 s9, $0x3  }
0xa: {  	s11 =	ssub.s32 s7, s31;
	s10 =	simm.s32 $0x3;
	s9 =	sadd.s32 s9, s5  }
0xb: {  	v3 =	vlaneseq.u32;
	v0 =	vimm.f32 $0.0e+00;
	v2 =	vimm.s32 $0xFFFFFFF0;
	s5 =	sadd.s32 s6, s8;
	s6 =	sadd.s32 s4, s30;
	s8 =	smax.u32 s11, $0x1  }
0xc: {  	v4 =	vimm.s32 $0x1;
	v1 =	vmul.u32 $0x3E8, v3;
	v3 =	vor.u32 $0x20, v3;
	s11 =	simm.s32 $0x7F00;
	s7 =	sadd.s32 $0x400, s9;
	s9 =	simm.s32 $0x7D00  }
.LBB2_1:
0xd: {  	[tilespmem:s9], [sflag:$0x3] =	stream.linear.gather [hbm4b:s5+s2], $0x200, $0x38;
	[tilespmem:$0x8200] =	vst v63  }
0xe: {  	_ =	swait.ge [sflag:s10], $0x200  }
0xf: {  	[sflag:s10] =	ssyncset.done $0x0  }
0x10: {  	[sflag:s10] =	ssyncadd.s32 $0xFFFFFE00  }
0x11: {  	[tilespmem:$0x8000] =	vst v0  }
0x12: {  	[tilespmem:$0x8010] =	vst v0  }
0x13: {  	[tilespmem:$0x8020] =	vst v0  }
0x14: {  	[tilespmem:$0x8030] =	vst v0  }
0x15: {  	[tilespmem:$0x8040] =	vst v0  }
0x16: {  	[tilespmem:$0x8050] =	vst v0  }
0x17: {  	[tilespmem:$0x8060] =	vst v0  }
0x18: {  	[tilespmem:$0x8070] =	vst v0  }
0x19: {  	[tilespmem:$0x8080] =	vst v0  }
0x1a: {  	[tilespmem:$0x8090] =	vst v0  }
0x1b: {  	[tilespmem:$0x80A0] =	vst v0  }
0x1c: {  	[tilespmem:$0x80B0] =	vst v0  }
0x1d: {  	[tilespmem:$0x80C0] =	vst v0  }
0x1e: {  	[tilespmem:$0x80D0] =	vst v0  }
0x1f: {  	[tilespmem:$0x80E0] =	vst v0  }
0x20: {  	[tilespmem:$0x80F0] =	vst v0  }
0x21: {  	[tilespmem:$0x8100] =	vst v0  }
0x22: {  	[tilespmem:$0x8110] =	vst v0  }
0x23: {  	[tilespmem:$0x8120] =	vst v0  }
0x24: {  	[tilespmem:$0x8130] =	vst v0  }
0x25: {  	[tilespmem:$0x8140] =	vst v0  }
0x26: {  	[tilespmem:$0x8150] =	vst v0  }
0x27: {  	[tilespmem:$0x8160] =	vst v0  }
0x28: {  	[tilespmem:$0x8170] =	vst v0  }
0x29: {  	[tilespmem:$0x8180] =	vst v0  }
0x2a: {  	[tilespmem:$0x8190] =	vst v0  }
0x2b: {  	[tilespmem:$0x81A0] =	vst v0  }
0x2c: {  	[tilespmem:$0x81B0] =	vst v0  }
0x2d: {  	[tilespmem:$0x81C0] =	vst v0  }
0x2e: {  	s17 =	simm.s32 $0x0;
	[tilespmem:$0x81D0] =	vst v0  }
0x2f: {  	[tilespmem:s2], [sflag:$0x1] =	stream.linear.gather [hbm4b:s6+s2], $0x3E80, $0x38;
	[tilespmem:$0x8200] =	vst v63  }
.LBB2_2:
0x30: {  	s18 =	sand.u32 $0x1, s17  }
0x31: {  	p0 =	seq.s32 s18, $0x1  }
0x32: {  	p1 =	seq.s32 @p0 s17, $0x1F  }
0x33: {  	p2 =	por p1, !p0  }
0x34: {  	s19 =	sadd.s32 @!p2 $0x1, s17  }
0x35: {  	s16 =	sshll.u32 @!p2 s19, $0x4  }
0x36: {  	s20 =	simm.s32 @p0 $0x2;
	s16 =	sadd.s32 @!p2 s3, s16  }
0x37: {  	_ =	swait.ge @p0 [sflag:s20], $0x3E80;
	s16 =	smul.u32 @!p2 $0x7D, s16  }
0x38: {  	[sflag:s20] =	ssyncset.done @p0 $0x0  }
0x39: {  	[sflag:s20] =	ssyncadd.s32 @p0 $0xFFFFC180;
	s20 =	simm.s32 @!p2 $0x0;
	s16 =	sadd.s32 @!p2 s4, s16  }
0x3a: {  	[tilespmem:s20], [sflag:$0x1] =	stream.linear.gather @!p2 [hbm4b:s16+s20], $0x3E80, $0x38;
	[tilespmem:$0x8200] =	vst v63  }
0x3b: {  	s16 =	sor.u32 @!p0 $0x1, s17  }
0x3c: {  	s21 =	sshll.u32 @!p0 s16, $0x4  }
0x3d: {  	s20 =	simm.s32 @!p0 $0x1;
	s21 =	sor.u32 @!p0 s3, s21  }
0x3e: {  	_ =	swait.ge @!p0 [sflag:s20], $0x3E80;
	s21 =	smul.u32 @!p0 $0x7D, s21  }
0x3f: {  	s22 =	simm.s32 @!p0 $0x3E80;
	[sflag:s20] =	ssyncset.done @!p0 $0x0  }
0x40: {  	[sflag:s20] =	ssyncadd.s32 @!p0 $0xFFFFC180;
	s20 =	sadd.s32 @!p0 s4, s21;
	s21 =	simm.s32 @!p0 $0x0  }
0x41: {  	v5 =	vimm.s32 $0x0;
	[tilespmem:s22], [sflag:$0x2] =	stream.linear.gather @!p0 [hbm4b:s20+s21], $0x3E80, $0x38;
	[tilespmem:$0x8200] =	vst v63  }
0x42: {  	[tilespmem:$0x7F00] =	vst v5  }
0x43: {  	[tilespmem:$0x7F10] =	vst v5  }
0x44: {  	[tilespmem:$0x7F20] =	vst v5  }
0x45: {  	[tilespmem:$0x7F30] =	vst v5  }
0x46: {  	[tilespmem:$0x7F40] =	vst v5  }
0x47: {  	[tilespmem:$0x7F50] =	vst v5  }
0x48: {  	[tilespmem:$0x7F60] =	vst v5  }
0x49: {  	[tilespmem:$0x7F70] =	vst v5  }
0x4a: {  	[tilespmem:$0x7F80] =	vst v5  }
0x4b: {  	[tilespmem:$0x7F90] =	vst v5  }
0x4c: {  	[tilespmem:$0x7FA0] =	vst v5  }
0x4d: {  	v6 =	vimm.f32 $-Inf;
	v9 =	vimm.s32 $0x0;
	s18 =	smul.u32 $0x3E80, s18;
	p1 =	por !p1, !p0;
	[tilespmem:$0x7FB0] =	vst v5  }
0x4e: {  	v8 =	vimm.s32 $0x0;
	v10 =	vimm.s32 $0x0;
	v7 =	vimm.f32 $-Inf;
	s19 =	simm.s32 @!p1 $0x20;
	[tilespmem:$0x7FC0] =	vst v5  }
0x4f: {  	v12 =	vimm.f32 $-Inf;
	v13 =	vimm.f32 $-Inf;
	v11 =	vadd.s32 s18, v1;
	s18 =	simm.s32 $0x7;
	s16 =	smov.u32 @p0 s19;
	[tilespmem:$0x7FD0] =	vst v5  }
.LBB2_3:
0x50: {  	s19 =	sadd.s32 $0xFFFFFFF9, s18  }
0x51: {  	v14 =	vadd.s32 s19, v11;
	_ =	sdelay $0x4  }
0x52: {  	v14 =	vld.idx.msk [tilespmem:v14+s2+$0x0], $0xffff;
	_ =	sdelay $0x4  }
0x53: {  	v15 =	vmax.f32 v14, $-1.000000000e+00  }
0x54: {  	v15 =	vmin.f32 v15, $1.200000000e+01  }
0x55: {  	v16 =	vtrunc.f32 v15  }
0x56: {  	v17 =	vcvt.f32.s32 v16  }
0x57: {  	vm0 =	vgt.f32 v15, v16  }
0x58: {  	v16 =	vsel vm0, $0x0, v2;
	v15 =	vshll.u32 v17, $0x4  }
0x59: {  	v15 =	vadd.s32 v16, v15  }
0x5a: {  	s20 =	sadd.s32 $0xFFFFFFFA, s18;
	v15 =	vadd.s32 v3, v15  }
0x5b: {  	v43 =	vadd.s32 s20, v11;
	_ =	sdelay $0x3  }
0x5c: {  	[tilespmem:v15+s11+$0x0] =	vst.idx.add.s32.msk $0xffff, v4  }
0x5d: {  	v15 =	vld.idx.msk [tilespmem:v43+s2+$0x0], $0xffff;
	_ =	sdelay $0x4  }
0x5e: {  	v16 =	vmax.f32 v15, $-1.000000000e+00  }
0x5f: {  	v16 =	vmin.f32 v16, $1.200000000e+01  }
0x60: {  	v44 =	vtrunc.f32 v16  }
0x61: {  	v18 =	vcvt.f32.s32 v44  }
0x62: {  	vm14 =	vgt.f32 v16, v44  }
0x63: {  	v17 =	vsel vm14, $0x0, v2;
	v45 =	vshll.u32 v18, $0x4  }
0x64: {  	v16 =	vadd.s32 v17, v45  }
0x65: {  	s21 =	sadd.s32 $0xFFFFFFFB, s18;
	v16 =	vadd.s32 v3, v16  }
0x66: {  	v46 =	vadd.s32 s21, v11;
	_ =	sdelay $0x3  }
0x67: {  	[tilespmem:v16+s11+$0x0] =	vst.idx.add.s32.msk $0xffff, v4  }
0x68: {  	v16 =	vld.idx.msk [tilespmem:v46+s2+$0x0], $0xffff;
	_ =	sdelay $0x4  }
0x69: {  	v17 =	vmax.f32 v16, $-1.000000000e+00  }
0x6a: {  	v17 =	vmin.f32 v17, $1.200000000e+01  }
0x6b: {  	v47 =	vtrunc.f32 v17  }
0x6c: {  	v19 =	vcvt.f32.s32 v47  }
0x6d: {  	vm15 =	vgt.f32 v17, v47  }
0x6e: {  	v18 =	vsel vm15, $0x0, v2;
	v48 =	vshll.u32 v19, $0x4  }
0x6f: {  	v17 =	vadd.s32 v18, v48  }
0x70: {  	s22 =	sadd.s32 $0xFFFFFFFC, s18;
	v17 =	vadd.s32 v3, v17  }
0x71: {  	v49 =	vadd.s32 s22, v11;
	_ =	sdelay $0x3  }
0x72: {  	[tilespmem:v17+s11+$0x0] =	vst.idx.add.s32.msk $0xffff, v4  }
0x73: {  	v17 =	vld.idx.msk [tilespmem:v49+s2+$0x0], $0xffff;
	_ =	sdelay $0x4  }
0x74: {  	v18 =	vmax.f32 v17, $-1.000000000e+00  }
0x75: {  	v18 =	vmin.f32 v18, $1.200000000e+01  }
0x76: {  	v50 =	vtrunc.f32 v18  }
0x77: {  	v20 =	vcvt.f32.s32 v50  }
0x78: {  	vm4 =	vgt.f32 v18, v50  }
0x79: {  	v19 =	vsel vm4, $0x0, v2;
	v51 =	vshll.u32 v20, $0x4  }
0x7a: {  	v18 =	vadd.s32 v19, v51  }
0x7b: {  	s23 =	sadd.s32 $0xFFFFFFFD, s18;
	v18 =	vadd.s32 v3, v18  }
0x7c: {  	v52 =	vadd.s32 s23, v11;
	_ =	sdelay $0x3  }
0x7d: {  	[tilespmem:v18+s11+$0x0] =	vst.idx.add.s32.msk $0xffff, v4  }
0x7e: {  	v18 =	vld.idx.msk [tilespmem:v52+s2+$0x0], $0xffff;
	_ =	sdelay $0x4  }
0x7f: {  	v19 =	vmax.f32 v18, $-1.000000000e+00  }
0x80: {  	v19 =	vmin.f32 v19, $1.200000000e+01  }
0x81: {  	v53 =	vtrunc.f32 v19  }
0x82: {  	v21 =	vcvt.f32.s32 v53  }
0x83: {  	vm5 =	vgt.f32 v19, v53  }
0x84: {  	v20 =	vsel vm5, $0x0, v2;
	v54 =	vshll.u32 v21, $0x4  }
0x85: {  	v19 =	vadd.s32 v20, v54  }
0x86: {  	s24 =	sadd.s32 $0xFFFFFFFE, s18;
	v19 =	vadd.s32 v3, v19  }
0x87: {  	v55 =	vadd.s32 s24, v11;
	_ =	sdelay $0x3  }
0x88: {  	[tilespmem:v19+s11+$0x0] =	vst.idx.add.s32.msk $0xffff, v4  }
0x89: {  	v19 =	vld.idx.msk [tilespmem:v55+s2+$0x0], $0xffff;
	_ =	sdelay $0x4  }
0x8a: {  	v20 =	vmax.f32 v19, $-1.000000000e+00  }
0x8b: {  	v20 =	vmin.f32 v20, $1.200000000e+01  }
0x8c: {  	v56 =	vtrunc.f32 v20  }
0x8d: {  	v22 =	vcvt.f32.s32 v56  }
0x8e: {  	vm6 =	vgt.f32 v20, v56  }
0x8f: {  	v21 =	vsel vm6, $0x0, v2;
	v57 =	vshll.u32 v22, $0x4  }
0x90: {  	v20 =	vadd.s32 v21, v57  }
0x91: {  	s25 =	sadd.s32 $0xFFFFFFFF, s18;
	v20 =	vadd.s32 v3, v20  }
0x92: {  	v58 =	vadd.s32 s25, v11;
	_ =	sdelay $0x3  }
0x93: {  	[tilespmem:v20+s11+$0x0] =	vst.idx.add.s32.msk $0xffff, v4  }
0x94: {  	v20 =	vld.idx.msk [tilespmem:v58+s2+$0x0], $0xffff;
	_ =	sdelay $0x4  }
0x95: {  	v21 =	vmax.f32 v20, $-1.000000000e+00  }
0x96: {  	v21 =	vmin.f32 v21, $1.200000000e+01  }
0x97: {  	v59 =	vtrunc.f32 v21  }
0x98: {  	v23 =	vcvt.f32.s32 v59  }
0x99: {  	vm7 =	vgt.f32 v21, v59  }
0x9a: {  	v22 =	vsel vm7, $0x0, v2;
	v60 =	vshll.u32 v23, $0x4  }
0x9b: {  	v21 =	vadd.s32 v22, v60  }
0x9c: {  	v21 =	vadd.s32 v3, v21  }
0x9d: {  	v61 =	vadd.s32 s18, v11;
	_ =	sdelay $0x3  }
0x9e: {  	[tilespmem:v21+s11+$0x0] =	vst.idx.add.s32.msk $0xffff, v4  }
0x9f: {  	v21 =	vld.idx.msk [tilespmem:v61+s2+$0x0], $0xffff;
	_ =	sdelay $0x4  }
0xa0: {  	v22 =	vmax.f32 v21, $-1.000000000e+00  }
0xa1: {  	v22 =	vmin.f32 v22, $1.200000000e+01  }
0xa2: {  	v62 =	vtrunc.f32 v22  }
0xa3: {  	vm8 =	vgt.f32 v14, v13;
	v13 =	vmax.f32 v13, v14;
	v24 =	vcvt.f32.s32 v62  }
0xa4: {  	v10 =	vsel vm8, s19, v10;
	vm1 =	vgt.f32 v15, v12;
	vm9 =	vgt.f32 v22, v62  }
0xa5: {  	v12 =	vmax.f32 v12, v15;
	v23 =	vsel vm9, $0x0, v2;
	v63 =	vshll.u32 v24, $0x4  }
0xa6: {  	v8 =	vsel vm1, s20, v8;
	vm10 =	vgt.f32 v16, v7;
	v14 =	vadd.s32 v23, v63  }
0xa7: {  	p0 =	sne.s32 s18, $0x3E7;
	v7 =	vmax.f32 v7, v16;
	vm11 =	vgt.f32 v17, v6;
	v14 =	vadd.s32 v3, v14  }
.Ltmp0:
0xa8: {  	v9 =	vsel vm10, s21, v9;
	v6 =	vmax.f32 v6, v17;
	v5 =	vsel vm11, s22, v5;
	(pc) =	sbr.rel @p0 .LBB2_3-.Ltmp0, $4  }
0xa9: {  	vm12 =	vgt.f32 v18, v13;
	v13 =	vmax.f32 v13, v18;
	vm13 =	vgt.f32 v19, v12  }
0xaa: {  	v10 =	vsel vm12, s23, v10;
	v12 =	vmax.f32 v12, v19;
	v8 =	vsel vm13, s24, v8  }
0xab: {  	vm15 =	vgt.f32 v20, v7;
	v7 =	vmax.f32 v7, v20;
	vm14 =	vgt.f32 v21, v6  }
0xac: {  	v9 =	vsel vm15, s25, v9;
	v6 =	vmax.f32 v6, v21;
	v5 =	vsel vm14, s18, v5;
	s18 =	sadd.s32 $0x8, s18;
	[tilespmem:v14+s11+$0x0] =	vst.idx.add.s32.msk $0xffff, v4  }
0xad: {  	v14 =	vld [tilespmem:$0x7F20]  }
0xae: {  	v15 =	vld [tilespmem:$0x8000]  }
0xaf: {  	v16 =	vld [tilespmem:$0x80A0]  }
0xb0: {  	v17 =	vld [tilespmem:$0x8140]  }
0xb1: {  	v18 =	vld [tilespmem:$0x7F30]  }
0xb2: {  	v19 =	vld [tilespmem:$0x8010]  }
0xb3: {  	v20 =	vld [tilespmem:$0x80B0]  }
0xb4: {  	v56 =	vld [tilespmem:$0x8150]  }
0xb5: {  	vm12 =	veq.f32 v6, v7;
	vm13 =	vgt.f32 v6, v7;
	v6 =	vmax.f32 v7, v6;
	v7 =	vld [tilespmem:$0x7F40]  }
0xb6: {  	v58 =	vld [tilespmem:$0x8020]  }
0xb7: {  	vm0 =	veq.f32 v12, v13;
	vm1 =	vlt.s32 v8, v10;
	vm2 =	vlt.s32 v5, v9;
	v59 =	vld [tilespmem:$0x80C0]  }
0xb8: {  	s17 =	sshll.u32 s17, $0x4;
	vm3 =	vgt.f32 v12, v13;
	v21 =	vld [tilespmem:$0x8160];
	vm0 =	vmand vm0, vm1;
	vm1 =	vmand vm12, vm2  }
0xb9: {  	v55 =	vmax.f32 v13, v12;
	v61 =	vld [tilespmem:$0x7F50];
	s17 =	sand.u32 $0x3FFFFFF0, s17;
	vm0 =	vmor vm3, vm0;
	vm1 =	vmor vm13, vm1  }
0xba: {  	vm14 =	veq.f32 v6, v55;
	v11 =	vld [tilespmem:s17+$0x7D00];
	v57 =	vsel vm0, v8, v10;
	v5 =	vsel vm1, v5, v9  }
0xbb: {  	v22 =	vld [tilespmem:$0x80D0];
	vm15 =	vgt.f32 v6, v55;
	vm1 =	vlt.s32 v5, v57;
	v60 =	vcvt.s32.f32 v14  }
0xbc: {  	v23 =	vld [tilespmem:$0x8170];
	v6 =	vmax.f32 v55, v6;
	vm0 =	vmand vm14, vm1;
	v18 =	vcvt.s32.f32 v18  }
0xbd: {  	v62 =	vld [tilespmem:$0x7F60];
	v7 =	vcvt.s32.f32 v7;
	vm0 =	vmor vm15, vm0;
	v15 =	vadd.f32 v60, v15  }
0xbe: {  	v24 =	vld [tilespmem:$0x8040];
	v5 =	vsel vm0, v5, v57;
	v12 =	vmul.f32 v60, v6;
	v25 =	vadd.f32 v18, v19  }
0xbf: {  	v26 =	vld [tilespmem:$0x80E0];
	v63 =	vmul.f32 v18, v6;
	v32 =	vadd.f32 v7, v58;
	vm0 =	veq.s32 v5, v11;
	[tilespmem:$0x8000] =	vst v15  }
0xc0: {  	v28 =	vld [tilespmem:$0x8180];
	v30 =	vmul.f32 v7, v6;
	v11 =	vsel vm0, $0x3F800000, v0;
	v12 =	vadd.f32 v16, v12;
	[tilespmem:$0x8010] =	vst v25  }
0xc1: {  	v5 =	vld [tilespmem:$0x8030];
	v27 =	vadd.f32 v20, v63;
	[tilespmem:$0x8020] =	vst v32;
	v8 =	vmul.f32 v60, v11  }
0xc2: {  	v31 =	vld [tilespmem:$0x7F70];
	v10 =	vadd.f32 v59, v30;
	v18 =	vmul.f32 v18, v11;
	[tilespmem:$0x80A0] =	vst v12  }
0xc3: {  	v34 =	vld [tilespmem:$0x8050];
	v33 =	vcvt.s32.f32 v61;
	v7 =	vmul.f32 v7, v11;
	[tilespmem:$0x80B0] =	vst v27;
	v8 =	vadd.f32 v17, v8  }
0xc4: {  	v35 =	vld [tilespmem:$0x80F0];
	[tilespmem:$0x80C0] =	vst v10;
	v29 =	vadd.f32 v56, v18  }
0xc5: {  	v39 =	vld [tilespmem:$0x7F80];
	v36 =	vmul.f32 v33, v6;
	v7 =	vadd.f32 v21, v7;
	[tilespmem:$0x8140] =	vst v8  }
0xc6: {  	v45 =	vld [tilespmem:$0x7F90];
	v38 =	vcvt.s32.f32 v62;
	v9 =	vmul.f32 v33, v11;
	v5 =	vadd.f32 v33, v5;
	[tilespmem:$0x8150] =	vst v29  }
0xc7: {  	v50 =	vld [tilespmem:$0x7FA0];
	[tilespmem:$0x8160] =	vst v7;
	v7 =	vadd.f32 v22, v36  }
0xc8: {  	v55 =	vld [tilespmem:$0x7FB0];
	v41 =	vmul.f32 v38, v6;
	[tilespmem:$0x8030] =	vst v5;
	v5 =	vadd.f32 v23, v9  }
0xc9: {  	v37 =	vld [tilespmem:$0x8190];
	v43 =	vcvt.s32.f32 v31;
	v10 =	vmul.f32 v38, v11;
	[tilespmem:$0x80D0] =	vst v7;
	v7 =	vadd.f32 v38, v24  }
0xca: {  	v40 =	vld [tilespmem:$0x8060];
	[tilespmem:$0x8170] =	vst v5;
	v5 =	vadd.f32 v26, v41  }
0xcb: {  	v42 =	vld [tilespmem:$0x8100];
	v46 =	vmul.f32 v43, v6;
	v16 =	vcvt.s32.f32 v39;
	[tilespmem:$0x8040] =	vst v7;
	v7 =	vadd.f32 v28, v10  }
0xcc: {  	v61 =	vld [tilespmem:$0x8130];
	v48 =	vmul.f32 v43, v11;
	v9 =	vcvt.s32.f32 v45;
	[tilespmem:$0x80E0] =	vst v5;
	v5 =	vadd.f32 v43, v34  }
0xcd: {  	v47 =	vld [tilespmem:$0x8070];
	v12 =	vcvt.s32.f32 v55;
	v10 =	vcvt.s32.f32 v50;
	[tilespmem:$0x8180] =	vst v7;
	v7 =	vadd.f32 v35, v46  }
0xce: {  	v44 =	vld [tilespmem:$0x81A0];
	v51 =	vmul.f32 v16, v6;
	v56 =	vmul.f32 v9, v6;
	[tilespmem:$0x8050] =	vst v5;
	v5 =	vadd.f32 v37, v48  }
0xcf: {  	v52 =	vld [tilespmem:$0x81B0];
	v60 =	vmul.f32 v10, v6;
	v6 =	vmul.f32 v12, v6;
	[tilespmem:$0x80F0] =	vst v7;
	v7 =	vadd.f32 v16, v40  }
0xd0: {  	v49 =	vld [tilespmem:$0x8110];
	[tilespmem:$0x8190] =	vst v5;
	v5 =	vadd.f32 v42, v51  }
0xd1: {  	v57 =	vld [tilespmem:$0x8120];
	v53 =	vmul.f32 v16, v11;
	v6 =	vadd.f32 v61, v6;
	[tilespmem:$0x8060] =	vst v7  }
0xd2: {  	v54 =	vld [tilespmem:$0x8080];
	[tilespmem:$0x8100] =	vst v5;
	v5 =	vadd.f32 v9, v47;
	v9 =	vmul.f32 v9, v11  }
0xd3: {  	v59 =	vld [tilespmem:$0x8090];
	v7 =	vadd.f32 v44, v53;
	[tilespmem:$0x8130] =	vst v6  }
0xd4: {  	v58 =	vld [tilespmem:$0x81C0];
	[tilespmem:$0x8070] =	vst v5;
	v5 =	vadd.f32 v52, v9  }
0xd5: {  	v62 =	vld [tilespmem:$0x81D0];
	[tilespmem:$0x81A0] =	vst v7;
	v7 =	vadd.f32 v49, v56  }
0xd6: {  	[tilespmem:$0x81B0] =	vst v5;
	v5 =	vadd.f32 v57, v60  }
0xd7: {  	p0 =	slt.u32 s16, $0x20;
	[tilespmem:$0x8110] =	vst v7;
	v7 =	vadd.f32 v10, v54;
	v10 =	vmul.f32 v10, v11  }
.Ltmp1:
0xd8: {  	v63 =	vmul.f32 v12, v11;
	[tilespmem:$0x8120] =	vst v5;
	v5 =	vadd.f32 v12, v59;
	(pc) =	sbr.rel @p0 .LBB2_2-.Ltmp1, $4  }
0xd9: {  	[tilespmem:$0x8080] =	vst v7;
	v7 =	vadd.f32 v58, v10  }
0xda: {  	[tilespmem:$0x8090] =	vst v5;
	v5 =	vadd.f32 v62, v63  }
0xdb: {  	[tilespmem:$0x81C0] =	vst v7  }
0xdc: {  	s17 =	smov.u32 s16;
	[tilespmem:$0x81D0] =	vst v5  }
0xdd: {  	s15 =	sadd.s32 $0x1, s15  }
0xde: {  	p0 =	sne.s32 s15, s8  }
.Ltmp2:
0xdf: {  	_ = 	snop;
	(pc) =	sbr.rel @p0 .LBB2_1-.Ltmp2, $4  }
0xe0: {  	[hbm4b:s7+s12] =	stream.strided.scatter [tilespmem:s14], [sflag:$0x3], $0x200, s13, s12, $0x38;
	[tilespmem:$0x8200] =	vst v63  }
0xe1: {  	_ =	swait.ge [sflag:s10], $0x200  }
0xe2: {  	[sflag:s10] =	ssyncset.done $0x0  }
0xe3: {  	[sflag:s10] =	ssyncadd.s32 $0xFFFFFE00  }
0xe4: {  	_ =	sfence.sel $0x180000  }
0xe5: {  	[bflag:$0x0] =	sbarrier.arrive $0xFFFF  }
0xe6: {  	p0 =	sne.s32 s0, $0x0;
	_ =	strace $0x90000047  }
0xe7: {  	s0 =	sadd.s32 @!p0 $0x100000, s1;
	[bflag:$0x2] =	sbarrier.arrive $0xFFFF  }
0xe8: {  	[sflag:s0] =	ssyncadd.tile.s32 @!p0 $0x1;
	_ =	shalt  }
.Lfunc_end2:
_tile_overlayer_lowered:
.L_overlay_start_2:
0xe9: {  	(tag) =	ssettag $0x2  }
0xea: {  	s0 =	rddreg [dreg:$0x0];
	s2 =	stileid.u32  }
0xeb: {  	s1 =	rddreg [dreg:$0x1];
	p0 =	sne.s32 s2, $0x0  }
0xec: {  	s3 =	rddreg [dreg:$0x2];
	[bflag:$0x3] =	sbarrier.arrive $0xFFFF;
	s2 =	simm.s32 @!p0 $0x1C03  }
0xed: {  	[timem:s3], [sflag:s2] =	dma.local @!p0 [hbm:s0], s1  }
0xee: {  	s0 =	simm.s32 @!p0 $0x3  }
0xef: {  	_ =	swait.ge @!p0 [sflag:s0], s1  }
0xf0: {  	s1 =	ssub.s32 @!p0 $0x0, s1;
	[sflag:s0] =	ssyncset.done @!p0 $0x0  }
0xf1: {  	[sflag:s0] =	ssyncadd.s32 @!p0 s1  }
0xf2: {  	[bflag:$0x3] =	sbarrier.arrive $0xFFFF  }
0xf3: {  	_ =	shalt  }

</sc_bundles>
